<compile_context>
chip_gen: v7x
topology: tpu7x:2x2x1
jax: 0.10.2.dev20260603
libtpu: 0.0.44.dev20260713+nightly
codegen_flags: <defaults>
</compile_context>

<pallas_src>
import functools

import jax
import jax.numpy as jnp
from jax import lax
from jax.experimental import pallas as pl
from jax.experimental.pallas import tpu as pltpu
from jax.experimental.pallas import tpu_sc as plsc

_B = 16
_S = 4096
_M = 32768
_K = 65536

_NC = 2
_NS = 16
_NW = _NC * _NS
_SLOTS = _B * _S
_SPW = _SLOTS // _NW
_LANES = 16


def _sc_body(doc_hbm, end_hbm, md_hbm, emb_hbm, out_hbm,
             ds_v, es_v, fla_v, win_v, cbuf_v, idx_v, md_v, emb_v,
             out_v, md_sh, emb_sh, fl_sh, sem, sem_stage):
    sid = lax.axis_index("s")
    wid = sid * _NC + lax.axis_index("c")
    base = wid * _SPW
    mpt = _M // _NS

    @pl.when(sid == 0)
    def _stage_start():
        pltpu.async_copy(md_hbm, md_sh, sem_stage)
        pltpu.async_copy(emb_hbm, emb_sh, sem_stage)

    doc_dma = pltpu.async_copy(doc_hbm.at[pl.ds(sid * mpt, mpt)], ds_v, sem)
    end_dma = pltpu.async_copy(end_hbm.at[pl.ds(sid * mpt, mpt)], es_v, sem)

    iota = lax.iota(jnp.int32, _LANES)
    neg1 = jnp.full((_LANES,), -1, jnp.int32)
    wid_splat = jnp.full((_LANES,), 0, jnp.int32) + wid

    @plsc.parallel_loop(0, _SPW // _LANES, unroll=8)
    def init_step(j):
        win_v[pl.ds(j * _LANES, _LANES)] = neg1

    doc_dma.wait()
    end_dma.wait()

    with jax.named_scope("flatten"):
        @plsc.parallel_loop(0, mpt // _LANES, unroll=8)
        def flat_step(j):
            d = ds_v[pl.ds(j * _LANES, _LANES)]
            e = es_v[pl.ds(j * _LANES, _LANES)]
            ds_v[pl.ds(j * _LANES, _LANES)] = (d << 12) | e

        pltpu.sync_copy(ds_v, fl_sh.at[pl.ds(sid * mpt, mpt)])
    plsc.subcore_barrier()
    pltpu.sync_copy(fl_sh, fla_v)

    with jax.named_scope("scan_compact"):
        @plsc.parallel_loop(0, _M // _LANES, unroll=8,
                            carry=(jnp.int32(0), iota))
        def scan_step(g, carry):
            cnt, mvec = carry
            flat = fla_v[pl.ds(g * _LANES, _LANES)]
            gk = (flat << 15) | mvec
            msk = (gk >> 26) == wid_splat
            plsc.store_compressed(cbuf_v.at[pl.ds(cnt, _LANES)], gk, mask=msk)
            cnt = cnt + plsc.all_reduce_population_count(msk)[0]
            return cnt, mvec + 16

        cnt, _ = scan_step

        plsc.store_scatter(cbuf_v, [cnt + iota], neg1)

    rot_key = (iota + (_LANES - 1)) & (_LANES - 1)
    last_lane = iota == (_LANES - 1)

    with jax.named_scope("resolve"):
        def resolve_step(g, _):
            gk = cbuf_v[pl.ds(g * _LANES, _LANES)]
            (gk,) = lax.sort((gk,), dimension=0, num_keys=1)
            q = gk >> 15
            nxt = plsc.sort_key_val(rot_key, q)[1]
            valid = (gk >> 26) == wid_splat
            winner = valid & (last_lane | (q != nxt))
            loc = jnp.where(
                winner, q - (jnp.full((_LANES,), 0, jnp.int32) + base), 0)
            plsc.store_scatter(win_v, [loc], gk & (_M - 1), mask=winner)
            return _

        lax.fori_loop(0, (cnt + _LANES - 1) // _LANES, resolve_step, 0)

    with jax.named_scope("idx_prep"):
        @plsc.parallel_loop(0, _SPW // _LANES, unroll=8)
        def idx_step(j):
            w = win_v[pl.ds(j * _LANES, _LANES)]
            fallback = (base + j * _LANES + iota) & (_M - 1)
            idx_v[pl.ds(j * _LANES, _LANES)] = jnp.where(w >= 0, w, fallback)

    with jax.named_scope("gathers"):
        @pl.when(sid == 0)
        def _stage_wait():
            pltpu.make_async_copy(md_hbm, md_sh, sem_stage).wait()
            pltpu.make_async_copy(emb_hbm, emb_sh, sem_stage).wait()

        plsc.subcore_barrier()
        pltpu.async_copy(md_sh.at[idx_v], md_v, sem).wait()
        pltpu.async_copy(emb_sh.at[md_v], emb_v, sem).wait()

    zero = jnp.zeros((_LANES,), jnp.float32)

    with jax.named_scope("emit"):
        @plsc.parallel_loop(0, _SPW // _LANES, unroll=8)
        def out_step(j):
            w = win_v[pl.ds(j * _LANES, _LANES)]
            v = emb_v[pl.ds(j * _LANES, _LANES)]
            out_v[pl.ds(j * _LANES, _LANES)] = jnp.where(w >= 0, v, zero)

        pltpu.sync_copy(out_v, out_hbm.at[pl.ds(base, _SPW)])


_sc_call = functools.partial(
    pl.kernel,
    out_type=jax.ShapeDtypeStruct((_SLOTS,), jnp.float32),
    mesh=plsc.VectorSubcoreMesh(core_axis_name="c", subcore_axis_name="s"),
    compiler_params=pltpu.CompilerParams(needs_layout_passes=False),
    scratch_types=[
        pltpu.VMEM((_M // _NS,), jnp.int32),
        pltpu.VMEM((_M // _NS,), jnp.int32),
        pltpu.VMEM((_M,), jnp.int32),
        pltpu.VMEM((_SPW,), jnp.int32),
        pltpu.VMEM((_M + _LANES,), jnp.int32),
        pltpu.VMEM((_SPW,), jnp.int32),
        pltpu.VMEM((_SPW,), jnp.int32),
        pltpu.VMEM((_SPW,), jnp.float32),
        pltpu.VMEM((_SPW,), jnp.float32),
        pltpu.VMEM_SHARED((_M,), jnp.int32),
        pltpu.VMEM_SHARED((_K,), jnp.float32),
        pltpu.VMEM_SHARED((_M,), jnp.int32),
        pltpu.SemaphoreType.DMA,
        pltpu.SemaphoreType.DMA,
    ],
)(_sc_body)


def kernel(doc_idx, end_idx, match_data, embed):
    doc = doc_idx.astype(jnp.int32)
    end = end_idx.astype(jnp.int32)
    md = match_data.astype(jnp.int32)
    flat = _sc_call(doc, end, md, embed)
    return flat.reshape(_B, _S)

# --- scband reference (transcript-rebuilt; emitter-appended) ---
"""Pipeline reference for scband-synth-feat-4432406249684 (READ-ONLY COPY).

The authoritative reference and input builder live on the scoring server;
editing this copy changes nothing except your own understanding.
"""

import jax, jax.numpy as jnp
import numpy as np

# Tensorized form of SynthFeat.get_acts on a batch of docs.
# The tokre regex matcher (CPU/ray side) produces, per match:
#   - which doc it belongs to            -> doc_idx
#   - the position match.end - 1         -> end_idx
#   - the match_data used by pred()      -> match_data (index into Embed table)
# pred() for Embed match_data is a scalar embedding lookup: embed[match_data].
# get_acts scatters each prediction into a zeros(B, S) buffer at (doc, end-1).

B = 16        # number of docs (RAGGED batch)
S = 4096      # max_seqlen
M = 32768     # total matches across all docs ~ B * S / 2
K = 65536     # Embed table size

def setup_inputs(seed: int = 0) -> dict:
    key = jax.random.key(seed)
    k1, k2, k3, k4 = jax.random.split(key, 4)
    doc_idx = jax.random.randint(k1, (M,), 0, B).astype(jnp.int64) if jax.config.jax_enable_x64 else jax.random.randint(k1, (M,), 0, B)
    end_idx = jax.random.randint(k2, (M,), 0, S)
    match_data = jax.random.randint(k3, (M,), 0, K)
    embed = jax.random.normal(k4, (K,), dtype=jnp.float32)
    return {"doc_idx": doc_idx, "end_idx": end_idx, "match_data": match_data, "embed": embed}

def reference(doc_idx, end_idx, match_data, embed):
    # pred(): scalar embedding gather per match
    preds = jnp.take(embed, match_data, axis=0)                      # [M]
    # get_acts(): scatter-overwrite predictions at (doc, match.end - 1)
    synth_acts = jnp.zeros((B, S), dtype=jnp.float32)
    synth_acts = synth_acts.at[doc_idx, end_idx].set(preds)          # [B, S]
    return synth_acts

if __name__ == "__main__":
    import jax
    _d = setup_inputs()
    print(jax.jit(kernel)(*tuple(_d.values())))

</pallas_src>

<mosaic_0001>
#map = affine_map<(d0, d1) -> (0)>
module attributes {stable_mosaic.version = 14 : i64} {
  func.func @_sc_body(%arg0: i32, %arg1: i32, %arg2: memref<32768xi32, #tpu.memory_space<hbm>>, %arg3: memref<32768xi32, #tpu.memory_space<hbm>>, %arg4: memref<32768xi32, #tpu.memory_space<hbm>>, %arg5: memref<65536xf32, #tpu.memory_space<hbm>>, %arg6: memref<65536xf32, #tpu.memory_space<hbm>>, %arg7: memref<2048xi32, #tpu.memory_space<vmem>>, %arg8: memref<2048xi32, #tpu.memory_space<vmem>>, %arg9: memref<32768xi32, #tpu.memory_space<vmem>>, %arg10: memref<2048xi32, #tpu.memory_space<vmem>>, %arg11: memref<32784xi32, #tpu.memory_space<vmem>>, %arg12: memref<2048xi32, #tpu.memory_space<vmem>>, %arg13: memref<2048xi32, #tpu.memory_space<vmem>>, %arg14: memref<2048xf32, #tpu.memory_space<vmem>>, %arg15: memref<2048xf32, #tpu.memory_space<vmem>>, %arg16: memref<32768xi32, #tpu.memory_space<vmem_shared>>, %arg17: memref<65536xf32, #tpu.memory_space<vmem_shared>>, %arg18: memref<32768xi32, #tpu.memory_space<vmem_shared>>, %arg19: memref<!tpu.dma_semaphore, #tpu.memory_space<semaphore_mem>>, %arg20: memref<!tpu.dma_semaphore, #tpu.memory_space<semaphore_mem>>) attributes {dimension_semantics = [#tpu.dimension_semantics<core_parallel>, #tpu.dimension_semantics<subcore_parallel>], iteration_bounds = array<i64: 2, 16>, scalar_prefetch = 0 : i64, scratch_operands = 14 : i64, tpu.core_type = #tpu.core_type<sc_vector_subcore>, window_params = [{transform_indices = #map}, {transform_indices = #map}, {transform_indices = #map}, {transform_indices = #map}, {transform_indices = #map}]} {
    %mul3A = arith.constant 2 : i32
    %mul3A_0 = arith.muli %arg1, %mul3A : i32
    %add3A = arith.addi %mul3A_0, %arg0 : i32
    %mul3A_1 = arith.constant 2048 : i32
    %mul3A_2 = arith.muli %add3A, %mul3A_1 : i32
    %eq3A = arith.constant 0 : i32
    %eq3A_3 = arith.cmpi eq, %arg1, %eq3A : i32
    %convert_element_type3A = arith.extui %eq3A_3 : i1 to i32
    %cond3A = arith.constant 0 : i32
    %cond3A_4 = arith.cmpi ne, %convert_element_type3A, %cond3A : i32
    scf.if %cond3A_4 {
      tpu.enqueue_dma source(%arg4 : memref<32768xi32, #tpu.memory_space<hbm>>) target(%arg16 : memref<32768xi32, #tpu.memory_space<vmem_shared>>) target_semaphore(%arg20 : memref<!tpu.dma_semaphore, #tpu.memory_space<semaphore_mem>>)
      tpu.enqueue_dma source(%arg5 : memref<65536xf32, #tpu.memory_space<hbm>>) target(%arg17 : memref<65536xf32, #tpu.memory_space<vmem_shared>>) target_semaphore(%arg20 : memref<!tpu.dma_semaphore, #tpu.memory_space<semaphore_mem>>)
    } else {
    }
    %mul3A_5 = arith.constant 2048 : i32
    %mul3A_6 = arith.muli %arg1, %mul3A_5 : i32
    %dma_start3A = tpu.memref_slice %arg2[%mul3A_6] : memref<32768xi32, #tpu.memory_space<hbm>> -> memref<2048xi32, #tpu.memory_space<hbm>>
    %dma_start3A_7 = tpu.memref_slice %arg2[%mul3A_6] : memref<32768xi32, #tpu.memory_space<hbm>> -> memref<2048xi32, #tpu.memory_space<hbm>>
    tpu.enqueue_dma source(%dma_start3A_7 : memref<2048xi32, #tpu.memory_space<hbm>>) target(%arg7 : memref<2048xi32, #tpu.memory_space<vmem>>) target_semaphore(%arg19 : memref<!tpu.dma_semaphore, #tpu.memory_space<semaphore_mem>>)
    %mul3A_8 = arith.constant 2048 : i32
    %mul3A_9 = arith.muli %arg1, %mul3A_8 : i32
    %dma_start3A_10 = tpu.memref_slice %arg3[%mul3A_9] : memref<32768xi32, #tpu.memory_space<hbm>> -> memref<2048xi32, #tpu.memory_space<hbm>>
    %dma_start3A_11 = tpu.memref_slice %arg3[%mul3A_9] : memref<32768xi32, #tpu.memory_space<hbm>> -> memref<2048xi32, #tpu.memory_space<hbm>>
    tpu.enqueue_dma source(%dma_start3A_11 : memref<2048xi32, #tpu.memory_space<hbm>>) target(%arg8 : memref<2048xi32, #tpu.memory_space<vmem>>) target_semaphore(%arg19 : memref<!tpu.dma_semaphore, #tpu.memory_space<semaphore_mem>>)
    %iota3A = tpu.iota {dimensions = array<i32: 0>} : vector<16xi32>
    %broadcast_in_dim3A = arith.constant -1 : i32
    %broadcast_in_dim3A_12 = vector.broadcast %broadcast_in_dim3A : i32 to vector<16xi32>
    %broadcast_in_dim3A_13 = arith.constant 0 : i32
    %broadcast_in_dim3A_14 = vector.broadcast %broadcast_in_dim3A_13 : i32 to vector<16xi32>
    %add3A_15 = vector.broadcast %add3A : i32 to vector<16xi32>
    %add3A_16 = arith.addi %broadcast_in_dim3A_14, %add3A_15 : vector<16xi32>
    %parallel_loop3A = arith.constant 0 : i32
    %parallel_loop3A_17 = arith.constant 128 : i32
    %parallel_loop3A_18 = arith.constant 1 : i32
    scf.for %parallel_loop3A_94 = %parallel_loop3A to %parallel_loop3A_17 step %parallel_loop3A_18  : i32 {
      %parallel_loop3A_95 = arith.constant 16 : i32
      %parallel_loop3A_96 = arith.muli %parallel_loop3A_94, %parallel_loop3A_95 : i32
      %parallel_loop3A_97 = arith.index_cast %parallel_loop3A_96 : i32 to index
      %parallel_loop3A_98 = tpu.vector_load %arg10[%parallel_loop3A_97] {strides = array<i32>} : memref<2048xi32, #tpu.memory_space<vmem>>, vector<16xi32>,
      tpu.vector_store %arg10[%parallel_loop3A_97], %broadcast_in_dim3A_12 {strides = array<i32>} : memref<2048xi32, #tpu.memory_space<vmem>>, vector<16xi32>,
    } {sc.loop_unroll_factor = 8 : i64, sc.parallel_access}
    %dma_wait3A = tpu.memref_slice %arg2[%mul3A_6] : memref<32768xi32, #tpu.memory_space<hbm>> -> memref<2048xi32, #tpu.memory_space<hbm>>
    %dma_wait3A_19 = tpu.memref_slice %arg2[%mul3A_6] : memref<32768xi32, #tpu.memory_space<hbm>> -> memref<2048xi32, #tpu.memory_space<hbm>>
    tpu.wait_dma2 semaphore(%arg19 : memref<!tpu.dma_semaphore, #tpu.memory_space<semaphore_mem>>) src(%dma_wait3A_19 : memref<2048xi32, #tpu.memory_space<hbm>>) dst(%arg7 : memref<2048xi32, #tpu.memory_space<vmem>>)
    %dma_wait3A_20 = tpu.memref_slice %arg3[%mul3A_9] : memref<32768xi32, #tpu.memory_space<hbm>> -> memref<2048xi32, #tpu.memory_space<hbm>>
    %dma_wait3A_21 = tpu.memref_slice %arg3[%mul3A_9] : memref<32768xi32, #tpu.memory_space<hbm>> -> memref<2048xi32, #tpu.memory_space<hbm>>
    tpu.wait_dma2 semaphore(%arg19 : memref<!tpu.dma_semaphore, #tpu.memory_space<semaphore_mem>>) src(%dma_wait3A_21 : memref<2048xi32, #tpu.memory_space<hbm>>) dst(%arg8 : memref<2048xi32, #tpu.memory_space<vmem>>)
    %parallel_loop3A_22 = arith.constant 0 : i32
    %parallel_loop3A_23 = arith.constant 128 : i32
    %parallel_loop3A_24 = arith.constant 1 : i32
    "tpu.trace_start"() <{level = 10 : i32, message = "flatten"}> : () -> ()
    scf.for %parallel_loop3A_94 = %parallel_loop3A_22 to %parallel_loop3A_23 step %parallel_loop3A_24  : i32 {
      %parallel_loop3A_95 = arith.constant 16 : i32
      %parallel_loop3A_96 = arith.muli %parallel_loop3A_94, %parallel_loop3A_95 : i32
      %parallel_loop3A_97 = arith.index_cast %parallel_loop3A_96 : i32 to index
      %parallel_loop3A_98 = tpu.vector_load %arg7[%parallel_loop3A_97] {strides = array<i32>} : memref<2048xi32, #tpu.memory_space<vmem>>, vector<16xi32>,
      %parallel_loop3A_99 = arith.constant 16 : i32
      %parallel_loop3A_100 = arith.muli %parallel_loop3A_94, %parallel_loop3A_99 : i32
      %parallel_loop3A_101 = arith.index_cast %parallel_loop3A_100 : i32 to index
      %parallel_loop3A_102 = tpu.vector_load %arg8[%parallel_loop3A_101] {strides = array<i32>} : memref<2048xi32, #tpu.memory_space<vmem>>, vector<16xi32>,
      %parallel_loop3A_103 = arith.constant 12 : i32
      %parallel_loop3A_104 = vector.broadcast %parallel_loop3A_103 : i32 to vector<16xi32>
      %parallel_loop3A_105 = arith.shli %parallel_loop3A_98, %parallel_loop3A_104 : vector<16xi32>
      %parallel_loop3A_106 = arith.ori %parallel_loop3A_105, %parallel_loop3A_102 : vector<16xi32>
      %parallel_loop3A_107 = arith.constant 16 : i32
      %parallel_loop3A_108 = arith.muli %parallel_loop3A_94, %parallel_loop3A_107 : i32
      %parallel_loop3A_109 = arith.index_cast %parallel_loop3A_108 : i32 to index
      %parallel_loop3A_110 = tpu.vector_load %arg7[%parallel_loop3A_109] {strides = array<i32>} : memref<2048xi32, #tpu.memory_space<vmem>>, vector<16xi32>,
      tpu.vector_store %arg7[%parallel_loop3A_109], %parallel_loop3A_106 {strides = array<i32>} : memref<2048xi32, #tpu.memory_space<vmem>>, vector<16xi32>,
    } {sc.loop_unroll_factor = 8 : i64, sc.parallel_access}
    %mul3A_25 = arith.constant 2048 : i32
    %mul3A_26 = arith.muli %arg1, %mul3A_25 : i32
    "tpu.region"() ({
      %run_scoped3A = tpu.sem_alloc : memref<!tpu.dma_semaphore, #tpu.memory_space<semaphore_mem>>
      %dma_start3A_94 = tpu.memref_slice %arg18[%mul3A_26] : memref<32768xi32, #tpu.memory_space<vmem_shared>> -> memref<2048xi32, #tpu.memory_space<vmem_shared>>
      %dma_start3A_95 = tpu.memref_slice %arg18[%mul3A_26] : memref<32768xi32, #tpu.memory_space<vmem_shared>> -> memref<2048xi32, #tpu.memory_space<vmem_shared>>
      tpu.enqueue_dma source(%arg7 : memref<2048xi32, #tpu.memory_space<vmem>>) target(%dma_start3A_95 : memref<2048xi32, #tpu.memory_space<vmem_shared>>) target_semaphore(%run_scoped3A : memref<!tpu.dma_semaphore, #tpu.memory_space<semaphore_mem>>)
      %dma_wait3A_96 = tpu.memref_slice %arg18[%mul3A_26] : memref<32768xi32, #tpu.memory_space<vmem_shared>> -> memref<2048xi32, #tpu.memory_space<vmem_shared>>
      %dma_wait3A_97 = tpu.memref_slice %arg18[%mul3A_26] : memref<32768xi32, #tpu.memory_space<vmem_shared>> -> memref<2048xi32, #tpu.memory_space<vmem_shared>>
      tpu.wait_dma2 semaphore(%run_scoped3A : memref<!tpu.dma_semaphore, #tpu.memory_space<semaphore_mem>>) src(%arg7 : memref<2048xi32, #tpu.memory_space<vmem>>) dst(%dma_wait3A_97 : memref<2048xi32, #tpu.memory_space<vmem_shared>>)
      tpu.yield
    }) : () -> ()
    "tpu.trace_stop"() : () -> ()
    %barrier3A = arith.constant 0 : index
    tpu.barrier barrier_id(%barrier3A)
    "tpu.region"() ({
      %run_scoped3A = tpu.sem_alloc : memref<!tpu.dma_semaphore, #tpu.memory_space<semaphore_mem>>
      tpu.enqueue_dma source(%arg18 : memref<32768xi32, #tpu.memory_space<vmem_shared>>) target(%arg9 : memref<32768xi32, #tpu.memory_space<vmem>>) target_semaphore(%run_scoped3A : memref<!tpu.dma_semaphore, #tpu.memory_space<semaphore_mem>>)
      tpu.wait_dma2 semaphore(%run_scoped3A : memref<!tpu.dma_semaphore, #tpu.memory_space<semaphore_mem>>) src(%arg18 : memref<32768xi32, #tpu.memory_space<vmem_shared>>) dst(%arg9 : memref<32768xi32, #tpu.memory_space<vmem>>)
      tpu.yield
    }) : () -> ()
    %parallel_loop3A_27 = arith.constant 0 : i32
    %parallel_loop3A_28 = arith.constant 2048 : i32
    %parallel_loop3A_29 = arith.constant 1 : i32
    %parallel_loop3A_30 = arith.constant 0 : i32
    "tpu.trace_start"() <{level = 10 : i32, message = "scan_compact"}> : () -> ()
    %parallel_loop3A_31:2 = scf.for %parallel_loop3A_94 = %parallel_loop3A_27 to %parallel_loop3A_28 step %parallel_loop3A_29 iter_args(%parallel_loop3A_95 = %parallel_loop3A_30, %parallel_loop3A_96 = %iota3A) -> (i32, vector<16xi32>)  : i32 {
      %parallel_loop3A_97 = arith.constant 16 : i32
      %parallel_loop3A_98 = arith.muli %parallel_loop3A_94, %parallel_loop3A_97 : i32
      %parallel_loop3A_99 = arith.index_cast %parallel_loop3A_98 : i32 to index
      %parallel_loop3A_100 = tpu.vector_load %arg9[%parallel_loop3A_99] {strides = array<i32>} : memref<32768xi32, #tpu.memory_space<vmem>>, vector<16xi32>,
      %parallel_loop3A_101 = arith.constant 15 : i32
      %parallel_loop3A_102 = vector.broadcast %parallel_loop3A_101 : i32 to vector<16xi32>
      %parallel_loop3A_103 = arith.shli %parallel_loop3A_100, %parallel_loop3A_102 : vector<16xi32>
      %parallel_loop3A_104 = arith.ori %parallel_loop3A_103, %parallel_loop3A_96 : vector<16xi32>
      %parallel_loop3A_105 = arith.constant 26 : i32
      %parallel_loop3A_106 = vector.broadcast %parallel_loop3A_105 : i32 to vector<16xi32>
      %parallel_loop3A_107 = arith.shrsi %parallel_loop3A_104, %parallel_loop3A_106 : vector<16xi32>
      %parallel_loop3A_108 = arith.cmpi eq, %parallel_loop3A_107, %add3A_16 : vector<16xi32>
      %parallel_loop3A_109 = arith.index_cast %parallel_loop3A_95 : i32 to index
      %parallel_loop3A_110 = tpu.vector_load %arg11[%parallel_loop3A_109] masked %parallel_loop3A_108 {strides = array<i32>} : memref<32784xi32, #tpu.memory_space<vmem>>, vector<16xi32>, vector<16xi1>
      tpu.vector_store %arg11[%parallel_loop3A_109], %parallel_loop3A_104 masked %parallel_loop3A_108 {strides = array<i32>} : memref<32784xi32, #tpu.memory_space<vmem>>, vector<16xi32>, vector<16xi1>
      %parallel_loop3A_111 = tpu.all_reduce %parallel_loop3A_108 {dim = 0 : i64, kind = #tpu.reduction_kind<sum>} : vector<16xi1> -> vector<16xi32>
      %parallel_loop3A_112 = vector.extract_strided_slice %parallel_loop3A_111 {offsets = [0], sizes = [1], strides = [1]} : vector<16xi32> to vector<1xi32>
      %parallel_loop3A_113 = vector.extract %parallel_loop3A_112[0] : i32 from vector<1xi32>
      %parallel_loop3A_114 = arith.addi %parallel_loop3A_95, %parallel_loop3A_113 : i32
      %parallel_loop3A_115 = arith.constant 16 : i32
      %parallel_loop3A_116 = vector.broadcast %parallel_loop3A_115 : i32 to vector<16xi32>
      %parallel_loop3A_117 = arith.addi %parallel_loop3A_96, %parallel_loop3A_116 : vector<16xi32>
      scf.yield %parallel_loop3A_114, %parallel_loop3A_117 : i32, vector<16xi32>
    } {sc.loop_unroll_factor = 8 : i64, sc.parallel_access}
    %add3A_32 = vector.broadcast %parallel_loop3A_31#0 : i32 to vector<16xi32>
    %add3A_33 = arith.addi %add3A_32, %iota3A : vector<16xi32>
    tpu.vector_store_idx %arg11[%add3A_33], %broadcast_in_dim3A_12 : memref<32784xi32, #tpu.memory_space<vmem>>[vector<16xi32>], vector<16xi32>,
    "tpu.trace_stop"() : () -> ()
    %add3A_34 = arith.constant 15 : i32
    %add3A_35 = vector.broadcast %add3A_34 : i32 to vector<16xi32>
    %add3A_36 = arith.addi %iota3A, %add3A_35 : vector<16xi32>
    %and3A = arith.constant 15 : i32
    %and3A_37 = vector.broadcast %and3A : i32 to vector<16xi32>
    %and3A_38 = arith.andi %add3A_36, %and3A_37 : vector<16xi32>
    %eq3A_39 = arith.constant 15 : i32
    %eq3A_40 = vector.broadcast %eq3A_39 : i32 to vector<16xi32>
    %eq3A_41 = arith.cmpi eq, %iota3A, %eq3A_40 : vector<16xi32>
    "tpu.trace_start"() <{level = 10 : i32, message = "resolve"}> : () -> ()
    %add3A_42 = arith.constant 16 : i32
    %add3A_43 = arith.addi %parallel_loop3A_31#0, %add3A_42 : i32
    %sub3A = arith.constant 1 : i32
    %sub3A_44 = arith.subi %add3A_43, %sub3A : i32
    %jit3A = arith.constant 16 : i32
    %div3A = arith.divsi %sub3A_44, %jit3A : i32
    %sign3A = arith.constant 0 : i32
    %sign3A_45 = arith.cmpi sgt, %sub3A_44, %sign3A : i32
    %sign3A_46 = arith.extui %sign3A_45 : i1 to i32
    %sign3A_47 = arith.constant 0 : i32
    %sign3A_48 = arith.cmpi slt, %sub3A_44, %sign3A_47 : i32
    %sign3A_49 = arith.extui %sign3A_48 : i1 to i32
    %sign3A_50 = arith.subi %sign3A_46, %sign3A_49 : i32
    %sign3A_51 = arith.constant 0 : i32
    %sign3A_52 = arith.cmpi sgt, %jit3A, %sign3A_51 : i32
    %sign3A_53 = arith.extui %sign3A_52 : i1 to i32
    %sign3A_54 = arith.constant 0 : i32
    %sign3A_55 = arith.cmpi slt, %jit3A, %sign3A_54 : i32
    %sign3A_56 = arith.extui %sign3A_55 : i1 to i32
    %sign3A_57 = arith.subi %sign3A_53, %sign3A_56 : i32
    %ne3A = arith.cmpi ne, %sign3A_50, %sign3A_57 : i32
    %rem3A = arith.remsi %sub3A_44, %jit3A : i32
    %ne3A_58 = arith.constant 0 : i32
    %ne3A_59 = arith.cmpi ne, %rem3A, %ne3A_58 : i32
    %and3A_60 = arith.andi %ne3A, %ne3A_59 : i1
    %sub3A_61 = arith.constant 1 : i32
    %sub3A_62 = arith.subi %div3A, %sub3A_61 : i32
    %select_n3A = arith.select %and3A_60, %sub3A_62, %div3A : i32
    %while3A = arith.constant 0 : i32
    %while3A_63 = arith.constant 0 : i32
    %while3A_64 = arith.subi %select_n3A, %while3A_63 : i32
    %while3A_65 = arith.addi %while3A_63, %while3A_64 : i32
    %while3A_66 = arith.constant 1 : i32
    %while3A_67 = arith.divsi %while3A_64, %while3A_66 : i32
    %while3A_68 = arith.muli %while3A_67, %while3A_66 : i32
    %while3A_69 = arith.addi %while3A_63, %while3A_68 : i32
    %while3A_70 = arith.constant 1 : i32
    scf.for %while3A_94 = %while3A_63 to %while3A_69 step %while3A_70  : i32 {
      %mul3A_95 = arith.constant 16 : i32
      %mul3A_96 = arith.muli %while3A_94, %mul3A_95 : i32
      %get3A = arith.index_cast %mul3A_96 : i32 to index
      %get3A_97 = tpu.vector_load %arg11[%get3A] {strides = array<i32>} : memref<32784xi32, #tpu.memory_space<vmem>>, vector<16xi32>,
      %sort3A = arith.constant dense<true> : vector<16xi1>
      %sort3A_98, %sort3A_99, %sort3A_100 = tpu.sort %get3A_97, %get3A_97 masked %sort3A : (vector<16xi32>, vector<16xi32>, vector<16xi1>) -> (vector<16xi1>, vector<16xi32>, vector<16xi32>)
      %shift_right_arithmetic3A = arith.constant 15 : i32
      %shift_right_arithmetic3A_101 = vector.broadcast %shift_right_arithmetic3A : i32 to vector<16xi32>
      %shift_right_arithmetic3A_102 = arith.shrsi %sort3A_99, %shift_right_arithmetic3A_101 : vector<16xi32>
      %masked_sort3A = arith.constant dense<true> : vector<16xi1>
      %masked_sort3A_103 = arith.constant -2147483648 : i32
      %masked_sort3A_104 = vector.broadcast %masked_sort3A_103 : i32 to vector<16xi32>
      %masked_sort3A_105 = arith.xori %and3A_38, %masked_sort3A_104 : vector<16xi32>
      %masked_sort3A_106, %masked_sort3A_107, %masked_sort3A_108 = tpu.sort %masked_sort3A_105, %shift_right_arithmetic3A_102 masked %masked_sort3A : (vector<16xi32>, vector<16xi32>, vector<16xi1>) -> (vector<16xi1>, vector<16xi32>, vector<16xi32>)
      %masked_sort3A_109 = arith.xori %masked_sort3A_107, %masked_sort3A_104 : vector<16xi32>
      %shift_right_arithmetic3A_110 = arith.constant 26 : i32
      %shift_right_arithmetic3A_111 = vector.broadcast %shift_right_arithmetic3A_110 : i32 to vector<16xi32>
      %shift_right_arithmetic3A_112 = arith.shrsi %sort3A_99, %shift_right_arithmetic3A_111 : vector<16xi32>
      %eq3A_113 = arith.cmpi eq, %shift_right_arithmetic3A_112, %add3A_16 : vector<16xi32>
      %ne3A_114 = arith.cmpi ne, %shift_right_arithmetic3A_102, %masked_sort3A_108 : vector<16xi32>
      %or3A = arith.ori %eq3A_41, %ne3A_114 : vector<16xi1>
      %and3A_115 = arith.andi %eq3A_113, %or3A : vector<16xi1>
      %broadcast_in_dim3A_116 = arith.constant 0 : i32
      %broadcast_in_dim3A_117 = vector.broadcast %broadcast_in_dim3A_116 : i32 to vector<16xi32>
      %add3A_118 = vector.broadcast %mul3A_2 : i32 to vector<16xi32>
      %add3A_119 = arith.addi %broadcast_in_dim3A_117, %add3A_118 : vector<16xi32>
      %sub3A_120 = arith.subi %shift_right_arithmetic3A_102, %add3A_119 : vector<16xi32>
      %jit3A_121 = arith.constant 0 : i32
      %broadcast_in_dim3A_122 = vector.broadcast %jit3A_121 : i32 to vector<16xi32>
      %select_n3A_123 = arith.select %and3A_115, %sub3A_120, %broadcast_in_dim3A_122 : vector<16xi1>, vector<16xi32>
      %and3A_124 = arith.constant 32767 : i32
      %and3A_125 = vector.broadcast %and3A_124 : i32 to vector<16xi32>
      %and3A_126 = arith.andi %sort3A_99, %and3A_125 : vector<16xi32>
      tpu.vector_store_idx %arg10[%select_n3A_123], %and3A_126 masked %and3A_115 : memref<2048xi32, #tpu.memory_space<vmem>>[vector<16xi32>], vector<16xi32>, vector<16xi1>
    }
    %while3A_71 = arith.constant 1 : i32
    scf.for %while3A_94 = %while3A_69 to %while3A_65 step %while3A_71  : i32 {
      %mul3A_95 = arith.constant 16 : i32
      %mul3A_96 = arith.muli %while3A_94, %mul3A_95 : i32
      %get3A = arith.index_cast %mul3A_96 : i32 to index
      %get3A_97 = tpu.vector_load %arg11[%get3A] {strides = array<i32>} : memref<32784xi32, #tpu.memory_space<vmem>>, vector<16xi32>,
      %sort3A = arith.constant dense<true> : vector<16xi1>
      %sort3A_98, %sort3A_99, %sort3A_100 = tpu.sort %get3A_97, %get3A_97 masked %sort3A : (vector<16xi32>, vector<16xi32>, vector<16xi1>) -> (vector<16xi1>, vector<16xi32>, vector<16xi32>)
      %shift_right_arithmetic3A = arith.constant 15 : i32
      %shift_right_arithmetic3A_101 = vector.broadcast %shift_right_arithmetic3A : i32 to vector<16xi32>
      %shift_right_arithmetic3A_102 = arith.shrsi %sort3A_99, %shift_right_arithmetic3A_101 : vector<16xi32>
      %masked_sort3A = arith.constant dense<true> : vector<16xi1>
      %masked_sort3A_103 = arith.constant -2147483648 : i32
      %masked_sort3A_104 = vector.broadcast %masked_sort3A_103 : i32 to vector<16xi32>
      %masked_sort3A_105 = arith.xori %and3A_38, %masked_sort3A_104 : vector<16xi32>
      %masked_sort3A_106, %masked_sort3A_107, %masked_sort3A_108 = tpu.sort %masked_sort3A_105, %shift_right_arithmetic3A_102 masked %masked_sort3A : (vector<16xi32>, vector<16xi32>, vector<16xi1>) -> (vector<16xi1>, vector<16xi32>, vector<16xi32>)
      %masked_sort3A_109 = arith.xori %masked_sort3A_107, %masked_sort3A_104 : vector<16xi32>
      %shift_right_arithmetic3A_110 = arith.constant 26 : i32
      %shift_right_arithmetic3A_111 = vector.broadcast %shift_right_arithmetic3A_110 : i32 to vector<16xi32>
      %shift_right_arithmetic3A_112 = arith.shrsi %sort3A_99, %shift_right_arithmetic3A_111 : vector<16xi32>
      %eq3A_113 = arith.cmpi eq, %shift_right_arithmetic3A_112, %add3A_16 : vector<16xi32>
      %ne3A_114 = arith.cmpi ne, %shift_right_arithmetic3A_102, %masked_sort3A_108 : vector<16xi32>
      %or3A = arith.ori %eq3A_41, %ne3A_114 : vector<16xi1>
      %and3A_115 = arith.andi %eq3A_113, %or3A : vector<16xi1>
      %broadcast_in_dim3A_116 = arith.constant 0 : i32
      %broadcast_in_dim3A_117 = vector.broadcast %broadcast_in_dim3A_116 : i32 to vector<16xi32>
      %add3A_118 = vector.broadcast %mul3A_2 : i32 to vector<16xi32>
      %add3A_119 = arith.addi %broadcast_in_dim3A_117, %add3A_118 : vector<16xi32>
      %sub3A_120 = arith.subi %shift_right_arithmetic3A_102, %add3A_119 : vector<16xi32>
      %jit3A_121 = arith.constant 0 : i32
      %broadcast_in_dim3A_122 = vector.broadcast %jit3A_121 : i32 to vector<16xi32>
      %select_n3A_123 = arith.select %and3A_115, %sub3A_120, %broadcast_in_dim3A_122 : vector<16xi1>, vector<16xi32>
      %and3A_124 = arith.constant 32767 : i32
      %and3A_125 = vector.broadcast %and3A_124 : i32 to vector<16xi32>
      %and3A_126 = arith.andi %sort3A_99, %and3A_125 : vector<16xi32>
      tpu.vector_store_idx %arg10[%select_n3A_123], %and3A_126 masked %and3A_115 : memref<2048xi32, #tpu.memory_space<vmem>>[vector<16xi32>], vector<16xi32>, vector<16xi1>
    }
    %parallel_loop3A_72 = arith.constant 0 : i32
    %parallel_loop3A_73 = arith.constant 128 : i32
    %parallel_loop3A_74 = arith.constant 1 : i32
    "tpu.trace_stop"() : () -> ()
    "tpu.trace_start"() <{level = 10 : i32, message = "idx_prep"}> : () -> ()
    scf.for %parallel_loop3A_94 = %parallel_loop3A_72 to %parallel_loop3A_73 step %parallel_loop3A_74  : i32 {
      %parallel_loop3A_95 = arith.constant 16 : i32
      %parallel_loop3A_96 = arith.muli %parallel_loop3A_94, %parallel_loop3A_95 : i32
      %parallel_loop3A_97 = arith.index_cast %parallel_loop3A_96 : i32 to index
      %parallel_loop3A_98 = tpu.vector_load %arg10[%parallel_loop3A_97] {strides = array<i32>} : memref<2048xi32, #tpu.memory_space<vmem>>, vector<16xi32>,
      %parallel_loop3A_99 = arith.constant 16 : i32
      %parallel_loop3A_100 = arith.muli %parallel_loop3A_94, %parallel_loop3A_99 : i32
      %parallel_loop3A_101 = arith.addi %mul3A_2, %parallel_loop3A_100 : i32
      %parallel_loop3A_102 = vector.broadcast %parallel_loop3A_101 : i32 to vector<16xi32>
      %parallel_loop3A_103 = arith.addi %parallel_loop3A_102, %iota3A : vector<16xi32>
      %parallel_loop3A_104 = arith.constant 32767 : i32
      %parallel_loop3A_105 = vector.broadcast %parallel_loop3A_104 : i32 to vector<16xi32>
      %parallel_loop3A_106 = arith.andi %parallel_loop3A_103, %parallel_loop3A_105 : vector<16xi32>
      %parallel_loop3A_107 = arith.constant 0 : i32
      %parallel_loop3A_108 = vector.broadcast %parallel_loop3A_107 : i32 to vector<16xi32>
      %parallel_loop3A_109 = arith.cmpi sge, %parallel_loop3A_98, %parallel_loop3A_108 : vector<16xi32>
      %parallel_loop3A_110 = arith.select %parallel_loop3A_109, %parallel_loop3A_98, %parallel_loop3A_106 : vector<16xi1>, vector<16xi32>
      %parallel_loop3A_111 = arith.constant 16 : i32
      %parallel_loop3A_112 = arith.muli %parallel_loop3A_94, %parallel_loop3A_111 : i32
      %parallel_loop3A_113 = arith.index_cast %parallel_loop3A_112 : i32 to index
      %parallel_loop3A_114 = tpu.vector_load %arg12[%parallel_loop3A_113] {strides = array<i32>} : memref<2048xi32, #tpu.memory_space<vmem>>, vector<16xi32>,
      tpu.vector_store %arg12[%parallel_loop3A_113], %parallel_loop3A_110 {strides = array<i32>} : memref<2048xi32, #tpu.memory_space<vmem>>, vector<16xi32>,
    } {sc.loop_unroll_factor = 8 : i64, sc.parallel_access}
    %eq3A_75 = arith.constant 0 : i32
    "tpu.trace_stop"() : () -> ()
    "tpu.trace_start"() <{level = 10 : i32, message = "gathers"}> : () -> ()
    %eq3A_76 = arith.cmpi eq, %arg1, %eq3A_75 : i32
    %convert_element_type3A_77 = arith.extui %eq3A_76 : i1 to i32
    %cond3A_78 = arith.constant 0 : i32
    %cond3A_79 = arith.cmpi ne, %convert_element_type3A_77, %cond3A_78 : i32
    scf.if %cond3A_79 {
      tpu.wait_dma2 semaphore(%arg20 : memref<!tpu.dma_semaphore, #tpu.memory_space<semaphore_mem>>) src(%arg4 : memref<32768xi32, #tpu.memory_space<hbm>>) dst(%arg16 : memref<32768xi32, #tpu.memory_space<vmem_shared>>)
      tpu.wait_dma2 semaphore(%arg20 : memref<!tpu.dma_semaphore, #tpu.memory_space<semaphore_mem>>) src(%arg5 : memref<65536xf32, #tpu.memory_space<hbm>>) dst(%arg17 : memref<65536xf32, #tpu.memory_space<vmem_shared>>)
    } else {
    }
    %barrier3A_80 = arith.constant 0 : index
    tpu.barrier barrier_id(%barrier3A_80)
    %dma_start3A_81 = arith.constant 0 : i32
    %dma_start3A_82 = tpu.memref_slice %arg16[%dma_start3A_81] : memref<32768xi32, #tpu.memory_space<vmem_shared>> -> memref<32768xi32, #tpu.memory_space<vmem_shared>>
    tpu.enqueue_indirect_dma source(%dma_start3A_82 : memref<32768xi32, #tpu.memory_space<vmem_shared>>) target(%arg13 : memref<2048xi32, #tpu.memory_space<vmem>>) offsets(%arg12 : memref<2048xi32, #tpu.memory_space<vmem>>) semaphore(%arg19 : memref<!tpu.dma_semaphore, #tpu.memory_space<semaphore_mem>>)
    %dma_wait3A_83 = arith.constant 0 : i32
    %dma_wait3A_84 = tpu.memref_slice %arg16[%dma_wait3A_83] : memref<32768xi32, #tpu.memory_space<vmem_shared>> -> memref<32768xi32, #tpu.memory_space<vmem_shared>>
    tpu.wait_indirect_dma semaphore(%arg19 : memref<!tpu.dma_semaphore, #tpu.memory_space<semaphore_mem>>) src(%dma_wait3A_84 : memref<32768xi32, #tpu.memory_space<vmem_shared>>) dst(%arg13 : memref<2048xi32, #tpu.memory_space<vmem>>)
    %dma_start3A_85 = arith.constant 0 : i32
    %dma_start3A_86 = tpu.memref_slice %arg17[%dma_start3A_85] : memref<65536xf32, #tpu.memory_space<vmem_shared>> -> memref<65536xf32, #tpu.memory_space<vmem_shared>>
    tpu.enqueue_indirect_dma source(%dma_start3A_86 : memref<65536xf32, #tpu.memory_space<vmem_shared>>) target(%arg14 : memref<2048xf32, #tpu.memory_space<vmem>>) offsets(%arg13 : memref<2048xi32, #tpu.memory_space<vmem>>) semaphore(%arg19 : memref<!tpu.dma_semaphore, #tpu.memory_space<semaphore_mem>>)
    %dma_wait3A_87 = arith.constant 0 : i32
    %dma_wait3A_88 = tpu.memref_slice %arg17[%dma_wait3A_87] : memref<65536xf32, #tpu.memory_space<vmem_shared>> -> memref<65536xf32, #tpu.memory_space<vmem_shared>>
    tpu.wait_indirect_dma semaphore(%arg19 : memref<!tpu.dma_semaphore, #tpu.memory_space<semaphore_mem>>) src(%dma_wait3A_88 : memref<65536xf32, #tpu.memory_space<vmem_shared>>) dst(%arg14 : memref<2048xf32, #tpu.memory_space<vmem>>)
    %broadcast_in_dim3A_89 = arith.constant 0.000000e+00 : f32
    "tpu.trace_stop"() : () -> ()
    %broadcast_in_dim3A_90 = vector.broadcast %broadcast_in_dim3A_89 : f32 to vector<16xf32>
    %parallel_loop3A_91 = arith.constant 0 : i32
    %parallel_loop3A_92 = arith.constant 128 : i32
    %parallel_loop3A_93 = arith.constant 1 : i32
    "tpu.trace_start"() <{level = 10 : i32, message = "emit"}> : () -> ()
    scf.for %parallel_loop3A_94 = %parallel_loop3A_91 to %parallel_loop3A_92 step %parallel_loop3A_93  : i32 {
      %parallel_loop3A_95 = arith.constant 16 : i32
      %parallel_loop3A_96 = arith.muli %parallel_loop3A_94, %parallel_loop3A_95 : i32
      %parallel_loop3A_97 = arith.index_cast %parallel_loop3A_96 : i32 to index
      %parallel_loop3A_98 = tpu.vector_load %arg10[%parallel_loop3A_97] {strides = array<i32>} : memref<2048xi32, #tpu.memory_space<vmem>>, vector<16xi32>,
      %parallel_loop3A_99 = arith.constant 16 : i32
      %parallel_loop3A_100 = arith.muli %parallel_loop3A_94, %parallel_loop3A_99 : i32
      %parallel_loop3A_101 = arith.index_cast %parallel_loop3A_100 : i32 to index
      %parallel_loop3A_102 = tpu.vector_load %arg14[%parallel_loop3A_101] {strides = array<i32>} : memref<2048xf32, #tpu.memory_space<vmem>>, vector<16xf32>,
      %parallel_loop3A_103 = arith.constant 0 : i32
      %parallel_loop3A_104 = vector.broadcast %parallel_loop3A_103 : i32 to vector<16xi32>
      %parallel_loop3A_105 = arith.cmpi sge, %parallel_loop3A_98, %parallel_loop3A_104 : vector<16xi32>
      %parallel_loop3A_106 = arith.select %parallel_loop3A_105, %parallel_loop3A_102, %broadcast_in_dim3A_90 : vector<16xi1>, vector<16xf32>
      %parallel_loop3A_107 = arith.constant 16 : i32
      %parallel_loop3A_108 = arith.muli %parallel_loop3A_94, %parallel_loop3A_107 : i32
      %parallel_loop3A_109 = arith.index_cast %parallel_loop3A_108 : i32 to index
      %parallel_loop3A_110 = tpu.vector_load %arg15[%parallel_loop3A_109] {strides = array<i32>} : memref<2048xf32, #tpu.memory_space<vmem>>, vector<16xf32>,
      tpu.vector_store %arg15[%parallel_loop3A_109], %parallel_loop3A_106 {strides = array<i32>} : memref<2048xf32, #tpu.memory_space<vmem>>, vector<16xf32>,
    } {sc.loop_unroll_factor = 8 : i64, sc.parallel_access}
    "tpu.region"() ({
      %run_scoped3A = tpu.sem_alloc : memref<!tpu.dma_semaphore, #tpu.memory_space<semaphore_mem>>
      %dma_start3A_94 = tpu.memref_slice %arg6[%mul3A_2] : memref<65536xf32, #tpu.memory_space<hbm>> -> memref<2048xf32, #tpu.memory_space<hbm>>
      %dma_start3A_95 = tpu.memref_slice %arg6[%mul3A_2] : memref<65536xf32, #tpu.memory_space<hbm>> -> memref<2048xf32, #tpu.memory_space<hbm>>
      tpu.enqueue_dma source(%arg15 : memref<2048xf32, #tpu.memory_space<vmem>>) target(%dma_start3A_95 : memref<2048xf32, #tpu.memory_space<hbm>>) target_semaphore(%run_scoped3A : memref<!tpu.dma_semaphore, #tpu.memory_space<semaphore_mem>>)
      %dma_wait3A_96 = tpu.memref_slice %arg6[%mul3A_2] : memref<65536xf32, #tpu.memory_space<hbm>> -> memref<2048xf32, #tpu.memory_space<hbm>>
      %dma_wait3A_97 = tpu.memref_slice %arg6[%mul3A_2] : memref<65536xf32, #tpu.memory_space<hbm>> -> memref<2048xf32, #tpu.memory_space<hbm>>
      tpu.wait_dma2 semaphore(%run_scoped3A : memref<!tpu.dma_semaphore, #tpu.memory_space<semaphore_mem>>) src(%arg15 : memref<2048xf32, #tpu.memory_space<vmem>>) dst(%dma_wait3A_97 : memref<2048xf32, #tpu.memory_space<hbm>>)
      tpu.yield
    }) : () -> ()
    "tpu.trace_stop"() : () -> ()
    return
  }
}

</mosaic_0001>

<sc_bundles>
// kernel: kernel.3.cloned.1.call-start
scs
__scs_entry_jumppad:
0x0: {  	(pc) =	sbr.rel $0x88, $3  }
0x1: {  	(tag) =	ssettag $0x0;
	lr =	simm.s32 $0x1  }
0x2: {  	[smem:$0x3F9D] =	sst lr;
	_ =	strace $0xD0000000  }
0x3: {  	_ = 	snop  }
0x4: {  	_ = 	snop  }
0x5: {  	_ = 	snop  }
0x6: {  	_ = 	snop  }
0x7: {  	_ = 	snop  }
__scs_overlays_trampoline_lowered:
0x8: {  	[smem:$0x3FAC] =	sst s0  }
0x9: {  	[smem:$0x3FAD] =	sst s1  }
0xa: {  	[smem:$0x3FAE] =	sst s2  }
0xb: {  	[smem:$0x3FAF] =	sst s3  }
0xc: {  	[smem:$0x3FB0] =	sst s4  }
0xd: {  	[smem:$0x3FB1] =	sst s5  }
0xe: {  	[smem:$0x3FB2] =	sst s6  }
0xf: {  	[smem:$0x3FB3] =	sst s7  }
0x10: {  	[smem:$0x3FB4] =	sst s8  }
0x11: {  	[smem:$0x3FB5] =	sst s9;
	s0 =	simm.s32 @!p0 $0x0  }
0x12: {  	s1 =	sld [smem:$0x3F9B];
	s0 =	simm.s32 @p0 $0x1  }
0x13: {  	[smem:$0x3FB6] =	sst s0;
	s0 =	simm.s32 @!p1 $0x0  }
0x14: {  	s2 =	sld [smem:$0x3F9A];
	s0 =	simm.s32 @p1 $0x1  }
0x15: {  	[smem:$0x3FB7] =	sst s0;
	s0 =	simm.s32 @!p2 $0x0  }
0x16: {  	s3 =	sld [smem:$0x3FDB];
	s0 =	simm.s32 @p2 $0x1  }
0x17: {  	s4 =	simm.s32 $0x1BF5;
	[smem:$0x3FB9] =	sst s0  }
0x18: {  	s0 =	sld [smem:$0x3F9C];
	_ =	swait.ge [sflag:s4], $0x0  }
0x19: {  	s7 =	sld [smem:$0x3F9D]  }
0x1a: {  	s8 =	sadd.s32 $0xFFFFE003, lr  }
0x1b: {  	s9 =	sadd.s32 $0xFFFFFEF7, lr;
	s5 =	simm.s32 $0xFFFFFFFF;
	p2 =	slt.u32 s8, $0xFFFFF086  }
0x1c: {  	p1 =	slt.u32 s9, $0xF7A;
	s5 =	simm.s32 @!p2 $0x0  }
0x1d: {  	s5 =	simm.s32 @p1 $0x1;
	p0 =	seq.s32 s7, s2  }
0x1e: {  	s7 =	smul.u32 @!p0 $0xF7A, s2;
	p2 =	seq.s32 @!p0 s5, $0x0  }
0x1f: {  	s9 =	smul.u32 $0xF7A, s1;
	s8 =	simm.s32 @!p0 $0x1BF5;
	p2 =	por !p2, p0  }
0x20: {  	[sflag:s8] =	ssyncset.s32 @!p0 $0xFFFFF086;
	s6 =	sadd.s32 @!p0 s3, s7;
	s7 =	simm.s32 @!p0 $0x108  }
0x21: {  	s3 =	sadd.s32 s3, s9;
	s6 =	sadd.s32 @!p0 $0x88, s6;
	s7 =	simm.s32 @p2 $0x1082  }
0x22: {  	[simem:s7], [sflag:s8] =	dma.local @!p0 [hbm:s6], $0xF7A  }
0x23: {  	s9 =	sor.u32 $0xD0000000, s2;
	s6 =	simm.s32 $0x108;
	_ =	swait.ge @!p0 [sflag:s8], $0x0  }
0x24: {  	s3 =	sadd.s32 $0x88, s3;
	s6 =	simm.s32 @!p1 $0x1082;
	[sflag:s4] =	ssyncset.s32 $0xFFFFF086  }
0x25: {  	[simem:s6], [sflag:s4] =	dma.local [hbm:s3], $0xF7A  }
0x26: {  	[smem:$0x3F9D] =	sst s1;
	(tag) =	ssettag s2;
	_ =	strace s9  }
0x27: {  	s1 =	sld [smem:$0x3FAD]  }
0x28: {  	s2 =	sld [smem:$0x3FAE]  }
0x29: {  	s4 =	sld [smem:$0x3FB0]  }
0x2a: {  	p0 =	seq.s32 s5, $0x0;
	s5 =	sld [smem:$0x3FB1]  }
0x2b: {  	s6 =	sld [smem:$0x3FB2]  }
0x2c: {  	s7 =	sld [smem:$0x3FB3]  }
0x2d: {  	s3 =	simm.s32 $0x108;
	s8 =	sld [smem:$0x3FB4]  }
0x2e: {  	s3 =	simm.s32 @!p0 $0x1082;
	s9 =	sld [smem:$0x3FB5]  }
0x2f: {  	lr =	sadd.s32 s0, s3;
	s0 =	sld [smem:$0x3FAC]  }
0x30: {  	s3 =	sld [smem:$0x3FAF]  }
0x31: {  	[smem:$0x3FB8] =	sst s10  }
0x32: {  	s10 =	sld [smem:$0x3FB6];
	_ =	sdelay $0x3  }
0x33: {  	p0 =	seq.s32 s10, $0x1;
	s10 =	sld [smem:$0x3FB8];
	_ =	sdelay $0x3  }
0x34: {  	[smem:$0x3FB8] =	sst s10  }
0x35: {  	s10 =	sld [smem:$0x3FB7];
	_ =	sdelay $0x3  }
0x36: {  	p1 =	seq.s32 s10, $0x1;
	s10 =	sld [smem:$0x3FB8];
	_ =	sdelay $0x3  }
0x37: {  	[smem:$0x3FB8] =	sst s10  }
0x38: {  	s10 =	sld [smem:$0x3FB9]  }
0x39: {  	_ = 	snop;
	(pc) =	sbr.ind lr, $3  }
0x3a: {  	_ = 	snop  }
0x3b: {  	_ = 	snop  }
0x3c: {  	p2 =	seq.s32 s10, $0x1;
	s10 =	sld [smem:$0x3FB8]  }
0x3d: {  	_ =	shalt  }
0x3e: {  	_ =	shalt  }
0x3f: {  	_ =	shalt  }
0x40: {  	_ =	shalt  }
0x41: {  	_ =	shalt  }
0x42: {  	_ =	shalt  }
0x43: {  	_ =	shalt  }
0x44: {  	_ =	shalt  }
0x45: {  	_ =	shalt  }
0x46: {  	_ =	shalt  }
0x47: {  	_ =	shalt  }
0x48: {  	_ =	shalt  }
0x49: {  	_ =	shalt  }
0x4a: {  	_ =	shalt  }
0x4b: {  	_ =	shalt  }
0x4c: {  	_ =	shalt  }
0x4d: {  	_ =	shalt  }
0x4e: {  	_ =	shalt  }
0x4f: {  	_ =	shalt  }
0x50: {  	_ =	shalt  }
0x51: {  	_ =	shalt  }
0x52: {  	_ =	shalt  }
0x53: {  	_ =	shalt  }
0x54: {  	_ =	shalt  }
0x55: {  	_ =	shalt  }
0x56: {  	_ =	shalt  }
0x57: {  	_ =	shalt  }
0x58: {  	_ =	shalt  }
0x59: {  	_ =	shalt  }
0x5a: {  	_ =	shalt  }
0x5b: {  	_ =	shalt  }
0x5c: {  	_ =	shalt  }
0x5d: {  	_ =	shalt  }
0x5e: {  	_ =	shalt  }
0x5f: {  	_ =	shalt  }
0x60: {  	_ =	shalt  }
0x61: {  	_ =	shalt  }
0x62: {  	_ =	shalt  }
0x63: {  	_ =	shalt  }
0x64: {  	_ =	shalt  }
0x65: {  	_ =	shalt  }
0x66: {  	_ =	shalt  }
0x67: {  	_ =	shalt  }
0x68: {  	_ =	shalt  }
0x69: {  	_ =	shalt  }
0x6a: {  	_ =	shalt  }
0x6b: {  	_ =	shalt  }
0x6c: {  	_ =	shalt  }
0x6d: {  	_ =	shalt  }
0x6e: {  	_ =	shalt  }
0x6f: {  	_ =	shalt  }
0x70: {  	_ =	shalt  }
0x71: {  	_ =	shalt  }
0x72: {  	_ =	shalt  }
0x73: {  	_ =	shalt  }
0x74: {  	_ =	shalt  }
0x75: {  	_ =	shalt  }
0x76: {  	_ =	shalt  }
0x77: {  	_ =	shalt  }
0x78: {  	_ =	shalt  }
0x79: {  	_ =	shalt  }
0x7a: {  	_ =	shalt  }
0x7b: {  	_ =	shalt  }
0x7c: {  	_ =	shalt  }
0x7d: {  	_ =	shalt  }
0x7e: {  	_ =	shalt  }
0x7f: {  	_ =	shalt  }
0x80: {  	_ =	shalt  }
0x81: {  	_ =	shalt  }
0x82: {  	_ =	shalt  }
0x83: {  	_ =	shalt  }
0x84: {  	_ =	shalt  }
0x85: {  	_ =	shalt  }
0x86: {  	_ =	shalt  }
0x87: {  	_ =	shalt  }
.Lfunc_end0:
.L_simem_size_0:
called_computation_lowered:
.L_overlay_start_0:
0x88: {  	s2 =	sld [smem:$0x3FD9]  }
0x89: {  	s3 =	sld [smem:$0x3FFE];
	_ =	sdelay $0x1  }
0x8a: {  	s1 =	srdreg.scid  }
0x8b: {  	s0 =	sand.u32 $0x1, s1  }
0x8c: {  	s17 =	sshll.u32 s0, $0xA;
	s2 =	sadd.s32 s3, s2  }
0x8d: {  	s2 =	sadd.s32 s2, s17  }
0x8e: {  	[smem:$0x3FC4] =	sst s2  }
0x8f: {  	_ = 	snop  }
0x90: {  	s2 =	sld [smem:$0x3FC9]  }
0x91: {  	s18 =	sld [smem:$0x3FC8]  }
0x92: {  	s4 =	sld [smem:$0x3FC7]  }
0x93: {  	s5 =	sld [smem:$0x3FC6];
	(tm) =	ssettm $0x1  }
0x94: {  	s6 =	sld [smem:$0x3FFB];
	_ =	sdelay $0x3  }
0x95: {  	_ =	strace s6  }
0x96: {  	s6 =	sld [smem:$0x3FFC];
	_ =	sdelay $0x3  }
0x97: {  	_ =	strace s6  }
0x98: {  	s6 =	sld [smem:$0x3FFD];
	_ =	sdelay $0x3  }
0x99: {  	_ =	strace s6  }
0x9a: {  	_ =	strace $0x8FFFFFFF  }
0x9b: {  	s19 =	sld [smem:$0x3FDB];
	_ =	sdelay $0x1  }
0x9c: {  	s7 =	simm.s32 $_scs_section_size  }
0x9d: {  	s8 =	simm.s32 $_size__tile_overlayer_lowered;
	s9 =	simm.s32 $_tile_overlayer_lowered  }
0x9e: {  	s22 =	simm.s32 $0x1BFF;
	s21 =	sshll.u32 s9, $0x1;
	s6 =	sadd.s32 s7, s19  }
0x9f: {  	s10 =	simm.s32 $0x0;
	s20 =	sshll.u32 s8, $0x1;
	s8 =	sadd.s32 s21, s6  }
0xa0: {  	[timem:s10], [sflag:s22] =	dma.local [hbm:s8], s20  }
0xa1: {  	_ =	swait.ge [sflag:s22], s20  }
0xa2: {  	s7 =	ssub.s32 $0x0, s20;
	[sflag:s22] =	ssyncset.done $0x0  }
0xa3: {  	[sflag:s22] =	ssyncadd.s32 s7;
	_ =	sdelay $0x1  }
0xa4: {  	s23 =	simm.s32 $0x1B8B  }
0xa5: {  	_ =	swait.ge [sflag:s23], $0x1  }
0xa6: {  	[sflag:s23] =	ssyncset.done $0x0  }
0xa7: {  	s25 =	simm.s32 $0x1B8E;
	s24 =	sld [smem:$0x3FFE];
	[sflag:s23] =	ssyncadd.s32 $0xFFFFFFFF  }
0xa8: {  	s26 =	simm.s32 $execute0_lowered;
	[smem:$0x3FD2] =	sst s25  }
0xa9: {  	s8 =	sshll.u32 s26, $0x1;
	_ =	strace $0x80000046;
	[dreg:$0x1] =	wrdreg $0xFFFFFFFF  }
0xaa: {  	s28 =	simm.s32 $_size_execute0_lowered;
	s6 =	sadd.s32 s6, s8;
	[dreg:$0x0] =	wrdreg $0x0  }
0xab: {  	s8 =	sshll.u32 s28, $0x1;
	[dreg:$0x2] =	wrdreg s6  }
0xac: {  	[dreg:$0x3] =	wrdreg s8  }
0xad: {  	[dreg:$0x4] =	wrdreg $0xC0  }
0xae: {  	_ =	task [dreg:s10], $0x5FFFF  }
0xaf: {  	[dreg:$0x1] =	wrdreg $0xFFFFFFFF  }
0xb0: {  	[dreg:$0x0] =	wrdreg $0x60  }
0xb1: {  	[dreg:$0x2] =	wrdreg s2  }
0xb2: {  	[dreg:$0x3] =	wrdreg s18  }
0xb3: {  	[dreg:$0x4] =	wrdreg s4  }
0xb4: {  	[dreg:$0x5] =	wrdreg s5  }
0xb5: {  	[dreg:$0x6] =	wrdreg s24  }
0xb6: {  	[dreg:$0x7] =	wrdreg $0x138800  }
0xb7: {  	[dreg:$0x8] =	wrdreg $0x140800  }
0xb8: {  	[dreg:$0x9] =	wrdreg $0x150800  }
0xb9: {  	[dreg:$0xa] =	wrdreg $0x9  }
0xba: {  	_ =	task.clear_ibuf [dreg:s10], $0xBFFFF;
	_ =	strace $0x90000046  }
0xbb: {  	s29 =	simm.s32 $0x9;
	_ =	strace $0x8000004E  }
0xbc: {  	_ =	swait.ge [sflag:s29], $0x1  }
0xbd: {  	[sflag:s29] =	ssyncadd.s32 $0xFFFFFFFF  }
0xbe: {  	_ =	strace $0x9000004E  }
0xbf: {  	_ =	sfence  }
0xc0: {  	s30 =	sld [smem:$0x0];
	_ =	sdelay $0x2  }
0xc1: {  	s31 =	sshll.u32 s1, $0xD;
	s1 =	sshrl.u32 s1, $0x2  }
0xc2: {  	s3 =	sand.u32 $0x4000, s31;
	s1 =	sadd.s32 s1, s30  }
0xc3: {  	s0 =	sor.u32 s3, s0;
	s1 =	sshll.u32 s1, $0x11  }
0xc4: {  	s0 =	sor.u32 s1, s0  }
0xc5: {  	s0 =	sadd.s32 $0x8F2B, s0  }
0xc6: {  	[sflag:s0] =	ssyncadd.remote.s32 $0x1  }
0xc7: {  	_ =	sfence.sel $0xFFFF  }
0xc8: {  	[dreg:$0x0] =	wrdreg $0xFFFFFFFF;
	(pc) =	sbr.abs _section_cstart, $3  }
0xc9: {  	[dreg:$0x1] =	wrdreg $0xFFFFFFFF  }
0xca: {  	_ =	task.clear_ibuf [dreg:s10], $0x2FFFF;
	_ =	strace $0x9FFFFFFF  }
0xcb: {  	(tm) =	ssettm $0x7FFFFFFF  }
tec
execute0_lowered:
.L_overlay_start_1:
0x0: {  	(tag) =	ssettag $0x1  }
0x1: {  	s7 =	rddreg [dreg:$0x0]  }
0x2: {  	s8 =	rddreg [dreg:$0x1]  }
0x3: {  	s9 =	rddreg [dreg:$0x4]  }
0x4: {  	s0 =	rddreg [dreg:$0x5];
	v0 =	vimm.s32 $0x8000000E;
	vm0 =	vcmask $0x300  }
0x5: {  	s1 =	rddreg [dreg:$0x6];
	v0 =	vsel vm0, $0x8000000F, v0;
	vm0 =	vcmask $0x704  }
0x6: {  	s2 =	rddreg [dreg:$0x7];
	s10 =	srdreg.scid;
	v0 =	vsel vm0, $0x80000000, v0;
	vm0 =	vcmask $0xB08  }
0x7: {  	s13 =	stileid.u32;
	s6 =	simm.s32 $0x0;
	s18 =	simm.s32 $0x1000;
	v0 =	vsel vm0, $0x80000001, v0;
	vm0 =	vcmask $0xF0C  }
0x8: {  	s17 =	simm.s32 $0x3;
	s20 =	simm.s32 $0x11880;
	s21 =	simm.s32 $0x12080;
	v0 =	vsel vm0, $0x80000002, v0;
	vm0 =	vcmask $0x1310  }
0x9: {  	s22 =	simm.s32 $0x12880;
	s23 =	simm.s32 $0x13080;
	s24 =	simm.s32 $0x0;
	v0 =	vsel vm0, $0x80000003, v0;
	vm0 =	vcmask $0x1714  }
0xa: {  	s10 =	sand.u32 $0x1, s10;
	s11 =	sshll.u32 s13, $0x1;
	[smem:$0x7FF] =	sst s6;
	v0 =	vsel vm0, $0x80000004, v0;
	vm0 =	vcmask $0x1B18  }
0xb: {  	s28 =	sshll.u32 s13, $0x8;
	s29 =	sshll.u32 s13, $0xB;
	s30 =	sshll.u32 s13, $0xC;
	v0 =	vsel vm0, $0x80000005, v0;
	vm0 =	vcmask $0x1F1C  }
0xc: {  	p0 =	sne.s32 s13, $0x0;
	s3 =	smov.u32 s0;
	s5 =	smov.u32 s1;
	v0 =	vsel vm0, $0x80000006, v0;
	vm0 =	vcmask $0x2320  }
0xd: {  	s16 =	sor.u32 s10, s11;
	s26 =	ssub.s32 $0x2, s10;
	_ =	strace $0x80000047;
	v0 =	vsel vm0, $0x80000007, v0;
	vm0 =	vcmask $0x2724  }
0xe: {  	s7 =	sadd.s32 s7, s28;
	s8 =	sadd.s32 s8, s28;
	s15 =	sshll.u32 s10, $0xB;
	v0 =	vsel vm0, $0x80000008, v0;
	vm0 =	vcmask $0x2B28  }
0xf: {  	s13 =	sshrl.u32 @!p0 s0, $0x3;
	s12 =	sshll.u32 s16, $0x8;
	s14 =	sshrl.u32 s26, $0x1;
	v0 =	vsel vm0, $0x80000009, v0;
	vm0 =	vcmask $0x2F2C  }
0x10: {  	v2 =	vimm.s32 $0xFFFFFFFF;
	s19 =	sshll.u32 s16, $0xB;
	s31 =	sor.u32 s15, s30;
	s15 =	simm.s32 $0x800;
	v0 =	vsel vm0, $0x8000000A, v0;
	vm0 =	vcmask $0x3330  }
0x11: {  	v3 =	vlaneseq.u32;
	s12 =	sadd.s32 s12, s9;
	s11 =	ssub.s32 s26, s14;
	s9 =	sadd.s32 s29, s2;
	v1 =	vsel vm0, $0x8000000B, v0;
	vm0 =	vcmask $0x3734  }
0x12: {  	s14 =	sshrl.u32 @!p0 s1, $0x3;
	s10 =	sadd.s32 $0x400, s12;
	s11 =	smax.u32 s11, $0x1;
	v0 =	vmov s16;
	v4 =	vsel vm0, $0x8000000C, v1;
	vm0 =	vcmask $0x3B38  }
0x13: {  	s12 =	sor.u32 $0x70, s31;
	s16 =	simm.s32 $0x1;
	v1 =	vmov s19;
	s19 =	simm.s32 $0x9000;
	v4 =	vsel vm0, $0x8000000D, v4;
	vm0 =	vcmask $0x3F3C  }
.LBB2_1:
0x14: {  	s25 =	simm.s32 @!p0 $0x1C02;
	s0 =	rddreg [dreg:$0x2]  }
0x15: {  	[spmem:s13], [sflag:s25] =	dma.local @!p0 [hbm:s0], $0x1000  }
0x16: {  	s0 =	rddreg [dreg:$0x3]  }
0x17: {  	[spmem:s14], [sflag:s25] =	dma.local @!p0 [hbm:s0], $0x2000  }
0x18: {  	[tilespmem:s6], [sflag:$0x1] =	stream.linear.gather [hbm4b:s7+s6], $0x800, $0x38;
	[tilespmem:$0x15880] =	vst v63  }
0x19: {  	s25 =	simm.s32 $0x9040  }
0x1a: {  	[tilespmem:s15], [sflag:$0x1] =	stream.linear.gather [hbm4b:s8+s6], $0x800, $0x38;
	[tilespmem:$0x15880] =	vst v63  }
0x1b: {  	[tilespmem:s25+$0xFFFFFFC0] =	vst v2  }
0x1c: {  	[tilespmem:s25+$0x30] =	vst v2  }
0x1d: {  	[tilespmem:s25+$0x20] =	vst v2  }
0x1e: {  	[tilespmem:s25+$0x10] =	vst v2  }
0x1f: {  	[tilespmem:s25+$0x0] =	vst v2  }
0x20: {  	[tilespmem:s25+$0xFFFFFFF0] =	vst v2  }
0x21: {  	s26 =	simm.s32 $0x0;
	[tilespmem:s25+$0xFFFFFFE0] =	vst v2  }
.LBB2_2:
0x22: {  	s26 =	sadd.s32 $0x8, s26;
	[tilespmem:s25+$0xFFFFFFD0] =	vst v2;
	s25 =	sadd.s32 $0x80, s25  }
0x23: {  	[tilespmem:s25+$0xFFFFFFC0] =	vst v2;
	p1 =	slt.u32 s26, $0x78  }
0x24: {  	[tilespmem:s25+$0x30] =	vst v2  }
.Ltmp0:
0x25: {  	[tilespmem:s25+$0x20] =	vst v2;
	(pc) =	sbr.rel @p1 .LBB2_2-.Ltmp0, $4  }
0x26: {  	[tilespmem:s25+$0x10] =	vst v2  }
0x27: {  	[tilespmem:s25+$0x0] =	vst v2  }
0x28: {  	[tilespmem:s25+$0xFFFFFFF0] =	vst v2  }
0x29: {  	[tilespmem:s25+$0xFFFFFFE0] =	vst v2  }
0x2a: {  	[tilespmem:s25+$0xFFFFFFD0] =	vst v2  }
0x2b: {  	_ =	swait.ge [sflag:s16], $0x800  }
0x2c: {  	[sflag:s16] =	ssyncset.done $0x0  }
0x2d: {  	[sflag:s16] =	ssyncadd.s32 $0xFFFFF800  }
0x2e: {  	_ =	swait.ge [sflag:s16], $0x800  }
0x2f: {  	[sflag:s16] =	ssyncset.done $0x0  }
0x30: {  	[sflag:s16] =	ssyncadd.s32 $0xFFFFF800  }
0x31: {  	s25 =	simm.s32 $0x40;
	_ =	strace $0x80000048  }
0x32: {  	s26 =	simm.s32 $0x840;
	v5 =	vld [tilespmem:s25+$0x30]  }
0x33: {  	v6 =	vld [tilespmem:s26+$0x30]  }
0x34: {  	v7 =	vld [tilespmem:s25+$0xFFFFFFD0]  }
0x35: {  	v8 =	vld [tilespmem:s25+$0xFFFFFFE0]  }
0x36: {  	v13 =	vld [tilespmem:s25+$0xFFFFFFF0]  }
0x37: {  	v14 =	vld [tilespmem:s25+$0x0]  }
0x38: {  	v15 =	vld [tilespmem:s25+$0x10]  }
0x39: {  	v16 =	vld [tilespmem:s25+$0x20]  }
0x3a: {  	v11 =	vld [tilespmem:s25+$0xFFFFFFC0]  }
0x3b: {  	v17 =	vld [tilespmem:s26+$0xFFFFFFC0]  }
0x3c: {  	v18 =	vld [tilespmem:s26+$0xFFFFFFD0]  }
0x3d: {  	v12 =	vld [tilespmem:s26+$0xFFFFFFE0]  }
0x3e: {  	v10 =	vld [tilespmem:s26+$0xFFFFFFF0];
	v5 =	vshll.u32 v5, $0xC;
	v19 =	vshll.u32 v7, $0xC  }
0x3f: {  	v9 =	vshll.u32 v8, $0xC;
	v7 =	vshll.u32 v11, $0xC;
	v11 =	vld [tilespmem:s26+$0x0];
	v5 =	vor.u32 v6, v5  }
0x40: {  	v8 =	vshll.u32 v13, $0xC;
	v13 =	vld [tilespmem:s26+$0x10];
	v6 =	vshll.u32 v14, $0xC;
	v14 =	vor.u32 v17, v7;
	[tilespmem:s25+$0x30] =	vst v5  }
0x41: {  	s28 =	simm.s32 $0x0;
	s29 =	simm.s32 $0xC0;
	v7 =	vshll.u32 v15, $0xC;
	v15 =	vor.u32 v18, v19;
	v5 =	vshll.u32 v16, $0xC;
	[tilespmem:s25+$0xFFFFFFC0] =	vst v14;
	v14 =	vld [tilespmem:s26+$0x20]  }
.LBB2_4:
0x42: {  	v16 =	vld [tilespmem:s29+$0x30];
	s28 =	sadd.s32 $0x8, s28;
	[tilespmem:s25+$0xFFFFFFD0] =	vst v15;
	v9 =	vor.u32 v12, v9;
	s26 =	sadd.s32 $0x80, s26  }
0x43: {  	v12 =	vld [tilespmem:s26+$0x30];
	p1 =	slt.u32 s28, $0x78;
	[tilespmem:s25+$0xFFFFFFE0] =	vst v9;
	v8 =	vor.u32 v10, v8  }
0x44: {  	v9 =	vld [tilespmem:s29+$0xFFFFFFD0];
	[tilespmem:s25+$0xFFFFFFF0] =	vst v8;
	v6 =	vor.u32 v11, v6  }
0x45: {  	v8 =	vld [tilespmem:s29+$0xFFFFFFE0];
	[tilespmem:s25+$0x0] =	vst v6;
	v6 =	vor.u32 v13, v7  }
0x46: {  	v7 =	vld [tilespmem:s29+$0xFFFFFFF0];
	[tilespmem:s25+$0x10] =	vst v6;
	v5 =	vor.u32 v14, v5  }
0x47: {  	v6 =	vld [tilespmem:s29+$0x0];
	v10 =	vshll.u32 v16, $0xC;
	[tilespmem:s25+$0x20] =	vst v5;
	s25 =	smov.u32 s29  }
0x48: {  	v5 =	vld [tilespmem:s29+$0x10];
	v10 =	vor.u32 v12, v10  }
0x49: {  	v14 =	vshll.u32 v9, $0xC;
	v11 =	vld [tilespmem:s29+$0x20];
	[tilespmem:s29+$0x30] =	vst v10  }
0x4a: {  	v13 =	vld [tilespmem:s29+$0xFFFFFFC0];
	v9 =	vshll.u32 v8, $0xC  }
0x4b: {  	v15 =	vld [tilespmem:s26+$0xFFFFFFC0];
	v8 =	vshll.u32 v7, $0xC  }
0x4c: {  	v16 =	vld [tilespmem:s26+$0xFFFFFFD0];
	v6 =	vshll.u32 v6, $0xC  }
.Ltmp1:
0x4d: {  	v12 =	vld [tilespmem:s26+$0xFFFFFFE0];
	v7 =	vshll.u32 v5, $0xC;
	(pc) =	sbr.rel @p1 .LBB2_4-.Ltmp1, $4  }
0x4e: {  	v10 =	vld [tilespmem:s26+$0xFFFFFFF0];
	v5 =	vshll.u32 v11, $0xC  }
0x4f: {  	v13 =	vshll.u32 v13, $0xC;
	v11 =	vld [tilespmem:s26+$0x0]  }
0x50: {  	v15 =	vor.u32 v15, v13;
	v13 =	vld [tilespmem:s26+$0x10]  }
0x51: {  	s29 =	sadd.s32 $0x80, s29;
	[tilespmem:s25+$0xFFFFFFC0] =	vst v15;
	v15 =	vor.u32 v16, v14;
	v14 =	vld [tilespmem:s26+$0x20]  }
0x52: {  	[tilespmem:s25+$0xFFFFFFD0] =	vst v15;
	v9 =	vor.u32 v12, v9  }
0x53: {  	[tilespmem:s25+$0xFFFFFFE0] =	vst v9;
	v8 =	vor.u32 v10, v8  }
0x54: {  	[tilespmem:s25+$0xFFFFFFF0] =	vst v8;
	v6 =	vor.u32 v11, v6  }
0x55: {  	[tilespmem:s25+$0x0] =	vst v6;
	v6 =	vor.u32 v13, v7  }
0x56: {  	[tilespmem:s25+$0x10] =	vst v6;
	v5 =	vor.u32 v14, v5  }
0x57: {  	s4 =	simm.s32 $0x0;
	[tilespmem:s25+$0x20] =	vst v5  }
0x58: {  	[spmem:s9] =	stream.linear.scatter [tilespmem:s4], [sflag:$0x3], $0x800, $0x200038;
	[tilespmem:$0x15880] =	vst v63  }
0x59: {  	_ =	swait.ge [sflag:s17], $0x800  }
0x5a: {  	[sflag:s17] =	ssyncset.done $0x0  }
0x5b: {  	[sflag:s17] =	ssyncadd.s32 $0xFFFFF800  }
0x5c: {  	_ =	strace $0x90000048  }
0x5d: {  	[bflag:$0x0] =	sbarrier.arrive $0xFFFF  }
0x5e: {  	s0 =	rddreg [dreg:$0x7]  }
0x5f: {  	[tilespmem:s18], [sflag:$0x3] =	stream.linear.gather [spmem:s0], $0x8000, $0x38;
	[tilespmem:$0x15880] =	vst v63  }
0x60: {  	_ =	swait.ge [sflag:s17], $0x8000  }
0x61: {  	[sflag:s17] =	ssyncset.done $0x0  }
0x62: {  	[sflag:s17] =	ssyncadd.s32 $0xFFFF8000  }
0x63: {  	s26 =	simm.s32 $0x1040;
	_ =	strace $0x80000049  }
0x64: {  	v5 =	vld [tilespmem:s26+$0x30]  }
0x65: {  	v6 =	vld [tilespmem:s26+$0x20]  }
0x66: {  	v7 =	vld [tilespmem:s26+$0x10]  }
0x67: {  	v8 =	vld [tilespmem:s26+$0x0]  }
0x68: {  	v9 =	vld [tilespmem:s26+$0xFFFFFFF0]  }
0x69: {  	v10 =	vld [tilespmem:s26+$0xFFFFFFE0]  }
0x6a: {  	v12 =	vlaneseq.u32;
	v13 =	vld [tilespmem:s26+$0xFFFFFFC0]  }
0x6b: {  	v15 =	vadd.s32 $0x50, v12;
	v11 =	vld [tilespmem:s26+$0xFFFFFFD0]  }
0x6c: {  	v16 =	vadd.s32 $0x60, v12;
	v17 =	vadd.s32 $0x20, v12;
	v18 =	vadd.s32 $0x30, v12  }
0x6d: {  	v19 =	vadd.s32 $0x40, v12;
	v20 =	vadd.s32 $0x10, v12;
	v14 =	vadd.s32 $0x70, v12  }
0x6e: {  	v6 =	vshll.u32 v6, $0xF;
	v5 =	vshll.u32 v5, $0xF;
	v9 =	vshll.u32 v9, $0xF  }
0x6f: {  	v8 =	vshll.u32 v8, $0xF;
	v7 =	vshll.u32 v7, $0xF;
	v13 =	vshll.u32 v13, $0xF  }
0x70: {  	v11 =	vshll.u32 v11, $0xF;
	v10 =	vshll.u32 v10, $0xF;
	v7 =	vor.u32 v15, v7  }
0x71: {  	v6 =	vor.u32 v16, v6;
	v5 =	vor.u32 v14, v5;
	v10 =	vor.u32 v17, v10  }
0x72: {  	v9 =	vor.u32 v18, v9;
	v8 =	vor.u32 v19, v8;
	v23 =	vor.u32 v12, v13  }
0x73: {  	v26 =	vor.u32 v20, v11;
	v11 =	vshra.s32 v5, $0x1A;
	v13 =	vshra.s32 v23, $0x1A  }
0x74: {  	v14 =	vshra.s32 v7, $0x1A;
	v15 =	vshra.s32 v6, $0x1A;
	v16 =	vshra.s32 v8, $0x1A  }
0x75: {  	vm7 =	veq.s32 v13, v0;
	v13 =	vshra.s32 v26, $0x1A;
	vm3 =	veq.s32 v16, v0  }
0x76: {  	v17 =	vmpcnt.ones.xlane vm7;
	vm9 =	veq.s32 v13, v0;
	v13 =	vshra.s32 v10, $0x1A  }
0x77: {  	v18 =	vmpcnt.ones.xlane vm9;
	vm1 =	veq.s32 v13, v0;
	v13 =	vshra.s32 v9, $0x1A  }
0x78: {  	v20 =	vmpcnt.ones.xlane vm1;
	vm2 =	veq.s32 v13, v0;
	(v2sf) =	vpush v17, $0x0  }
0x79: {  	s30 =	simm.s32 $0x10C0;
	vm4 =	veq.s32 v14, v0;
	v17 =	vmpcnt.ones.xlane vm2;
	(v2sf) =	vpush v18, $0x0  }
0x7a: {  	v16 =	vld [tilespmem:s30+$0x10];
	vm5 =	veq.s32 v15, v0;
	v18 =	vmpcnt.ones.xlane vm3;
	(v2sf) =	vpush v20, $0x0  }
0x7b: {  	vm6 =	veq.s32 v11, v0;
	v11 =	vld [tilespmem:s30+$0xFFFFFFD0];
	v14 =	vmpcnt.ones.xlane vm4;
	(v2sf) =	vpush v17, $0x0  }
0x7c: {  	v15 =	vadd.s32 $0x80, v12;
	v12 =	vld [tilespmem:s30+$0xFFFFFFC0];
	v21 =	vmpcnt.ones.xlane vm5;
	(v2sf) =	vpush v18, $0x0  }
0x7d: {  	v19 =	vld [tilespmem:s30+$0x30];
	v18 =	vmpcnt.ones.xlane vm6;
	(v2sf) =	vpush v14, $0x0  }
0x7e: {  	v22 =	vadd.s32 $0x70, v15;
	v13 =	vld [tilespmem:s30+$0x20];
	(v2sf) =	vpush v21, $0x0  }
0x7f: {  	v24 =	vadd.s32 $0x60, v15;
	v25 =	vadd.s32 $0x30, v15;
	v20 =	vld [tilespmem:s30+$0x0];
	(v2sf) =	vpush v18, $0x0  }
0x80: {  	v27 =	vadd.s32 $0x40, v15;
	v28 =	vadd.s32 $0x10, v15;
	v16 =	vshll.u32 v16, $0xF;
	v17 =	vld [tilespmem:s30+$0xFFFFFFF0]  }
0x81: {  	v29 =	vshll.u32 v12, $0xF;
	v11 =	vshll.u32 v11, $0xF;
	v14 =	vadd.s32 $0x50, v15;
	v21 =	vld [tilespmem:s30+$0xFFFFFFE0]  }
0x82: {  	v11 =	vor.u32 v28, v11;
	v14 =	vor.u32 v14, v16;
	v16 =	vshll.u32 v19, $0xF  }
0x83: {  	v13 =	vshll.u32 v13, $0xF;
	v12 =	vor.u32 v22, v16;
	v16 =	vor.u32 v15, v29  }
0x84: {  	v13 =	vor.u32 v24, v13;
	v18 =	vadd.s32 $0x20, v15;
	v24 =	vshra.s32 v16, $0x1A  }
0x85: {  	v20 =	vshll.u32 v20, $0xF;
	v22 =	vshra.s32 v14, $0x1A;
	vm8 =	veq.s32 v24, v0  }
0x86: {  	v17 =	vshll.u32 v17, $0xF;
	v24 =	vmpcnt.ones.xlane vm8;
	v19 =	vshll.u32 v21, $0xF  }
0x87: {  	v21 =	vshra.s32 v13, $0x1A;
	v19 =	vor.u32 v18, v19;
	v18 =	vor.u32 v25, v17;
	s31 =	spop (v2sf)  }
0x88: {  	s25 =	simm.s32 $0x8;
	[tilespmem:s4+$0x9800] =	vst.msk vm7, v23;
	v17 =	vor.u32 v27, v20;
	v20 =	vshra.s32 v12, $0x1A;
	v25 =	vshra.s32 v11, $0x1A;
	s28 =	sadd.s32 $0x0, s31;
	s29 =	spop (v2sf)  }
0x89: {  	s26 =	simm.s32 $0x1140;
	v23 =	vshra.s32 v17, $0x1A;
	vm7 =	veq.s32 v25, v0;
	v25 =	vshra.s32 v19, $0x1A;
	[tilespmem:s28+$0x9800] =	vst.msk vm9, v26;
	s28 =	sadd.s32 s28, s29;
	s29 =	spop (v2sf)  }
.LBB2_6:
0x8a: {  	v26 =	vld [tilespmem:s26+$0x30];
	v27 =	vmpcnt.ones.xlane vm7;
	v28 =	vshra.s32 v18, $0x1A;
	[tilespmem:s28+$0x9800] =	vst.msk vm1, v10;
	vm1 =	veq.s32 v25, v0;
	s28 =	sadd.s32 s28, s29;
	s29 =	spop (v2sf);
	v10 =	vmovc v19  }
0x8b: {  	v19 =	vld [tilespmem:s26+$0x20];
	v25 =	vmpcnt.ones.xlane vm1;
	(v2sf) =	vpush v24, $0x0;
	[tilespmem:s28+$0x9800] =	vst.msk vm2, v9;
	vm2 =	veq.s32 v28, v0;
	s28 =	sadd.s32 s28, s29;
	s29 =	spop (v2sf);
	v9 =	vmovc v18  }
0x8c: {  	v18 =	vld [tilespmem:s26+$0x10];
	v24 =	vmpcnt.ones.xlane vm2;
	(v2sf) =	vpush v27, $0x0;
	[tilespmem:s28+$0x9800] =	vst.msk vm3, v8;
	vm3 =	veq.s32 v23, v0;
	s28 =	sadd.s32 s28, s29;
	s29 =	spop (v2sf);
	v8 =	vmovc v17  }
0x8d: {  	v17 =	vld [tilespmem:s26+$0x0];
	v23 =	vmpcnt.ones.xlane vm3;
	(v2sf) =	vpush v25, $0x0;
	[tilespmem:s28+$0x9800] =	vst.msk vm4, v7;
	vm4 =	veq.s32 v22, v0;
	s28 =	sadd.s32 s28, s29;
	s29 =	spop (v2sf);
	v7 =	vmovc v14  }
0x8e: {  	v14 =	vld [tilespmem:s26+$0xFFFFFFF0];
	v22 =	vmpcnt.ones.xlane vm4;
	(v2sf) =	vpush v24, $0x0;
	[tilespmem:s28+$0x9800] =	vst.msk vm5, v6;
	vm5 =	veq.s32 v21, v0;
	s28 =	sadd.s32 s28, s29;
	s29 =	spop (v2sf);
	v6 =	vmovc v13  }
0x8f: {  	v13 =	vld [tilespmem:s26+$0xFFFFFFE0];
	v21 =	vmpcnt.ones.xlane vm5;
	(v2sf) =	vpush v23, $0x0;
	[tilespmem:s28+$0x9800] =	vst.msk vm6, v5;
	vm6 =	veq.s32 v20, v0;
	s28 =	sadd.s32 s28, s29;
	v5 =	vmovc v12  }
0x90: {  	v15 =	vadd.s32 $0x80, v15;
	v12 =	vld [tilespmem:s26+$0xFFFFFFD0];
	[tilespmem:s28+$0x9800] =	vst.msk vm8, v16;
	v16 =	vmpcnt.ones.xlane vm6;
	(v2sf) =	vpush v22, $0x0  }
0x91: {  	v22 =	vadd.s32 $0x70, v15;
	v20 =	vld [tilespmem:s26+$0xFFFFFFC0];
	(v2sf) =	vpush v21, $0x0  }
0x92: {  	v23 =	vadd.s32 $0x60, v15;
	v21 =	vadd.s32 $0x50, v15;
	(v2sf) =	vpush v16, $0x0  }
0x93: {  	s25 =	sadd.s32 $0x8, s25;
	v25 =	vadd.s32 $0x40, v15;
	v24 =	vadd.s32 $0x30, v15;
	v16 =	vadd.s32 $0x20, v15  }
0x94: {  	p1 =	slt.u32 s25, $0x7F8;
	v27 =	vadd.s32 $0x10, v15;
	v26 =	vshll.u32 v26, $0xF;
	v19 =	vshll.u32 v19, $0xF  }
0x95: {  	v17 =	vshll.u32 v17, $0xF;
	v28 =	vshll.u32 v14, $0xF;
	v14 =	vshll.u32 v18, $0xF  }
0x96: {  	v18 =	vshll.u32 v13, $0xF;
	v29 =	vshll.u32 v12, $0xF;
	v20 =	vshll.u32 v20, $0xF  }
0x97: {  	v14 =	vor.u32 v21, v14;
	v13 =	vor.u32 v23, v19;
	v12 =	vor.u32 v22, v26  }
.Ltmp2:
0x98: {  	v17 =	vor.u32 v25, v17;
	v19 =	vor.u32 v16, v18;
	v18 =	vor.u32 v24, v28;
	(pc) =	sbr.rel @p1 .LBB2_6-.Ltmp2, $4  }
0x99: {  	v26 =	vor.u32 v27, v29;
	v16 =	vor.u32 v15, v20;
	v20 =	vshra.s32 v12, $0x1A  }
0x9a: {  	v22 =	vshra.s32 v14, $0x1A;
	v21 =	vshra.s32 v13, $0x1A;
	v23 =	vshra.s32 v16, $0x1A;
	s29 =	spop (v2sf)  }
0x9b: {  	v27 =	vshra.s32 v26, $0x1A;
	vm8 =	veq.s32 v23, v0;
	v23 =	vshra.s32 v17, $0x1A;
	s28 =	sadd.s32 s28, s29;
	s29 =	spop (v2sf)  }
0x9c: {  	s26 =	sadd.s32 $0x80, s26;
	v25 =	vshra.s32 v19, $0x1A;
	v24 =	vmpcnt.ones.xlane vm8;
	[tilespmem:s28+$0x9800] =	vst.msk vm7, v11;
	vm7 =	veq.s32 v27, v0;
	s28 =	sadd.s32 s28, s29;
	s29 =	spop (v2sf);
	v11 =	vmovc v26  }
0x9d: {  	v15 =	vmpcnt.ones.xlane vm7;
	vm9 =	veq.s32 v25, v0;
	v59 =	vshra.s32 v18, $0x1A  }
0x9e: {  	(v2sf) =	vpush v24, $0x0;
	v60 =	vmpcnt.ones.xlane vm9;
	vm13 =	veq.s32 v59, v0  }
0x9f: {  	vm14 =	veq.s32 v23, v0;
	(v2sf) =	vpush v15, $0x0;
	v61 =	vmpcnt.ones.xlane vm13  }
0xa0: {  	vm11 =	veq.s32 v22, v0;
	v23 =	vmpcnt.ones.xlane vm14;
	(v2sf) =	vpush v60, $0x0  }
0xa1: {  	vm12 =	veq.s32 v21, v0;
	v62 =	vmpcnt.ones.xlane vm11;
	(v2sf) =	vpush v61, $0x0  }
0xa2: {  	vm10 =	veq.s32 v20, v0;
	v21 =	vmpcnt.ones.xlane vm12;
	(v2sf) =	vpush v23, $0x0  }
0xa3: {  	v63 =	vmpcnt.ones.xlane vm10;
	(v2sf) =	vpush v62, $0x0  }
0xa4: {  	(v2sf) =	vpush v21, $0x0  }
0xa5: {  	(v2sf) =	vpush v63, $0x0;
	_ =	sdelay $0x2  }
0xa6: {  	s25 =	spop (v2sf);
	s26 =	sadd.s32 s28, s29  }
0xa7: {  	s1 =	spop (v2sf);
	s25 =	sadd.s32 s26, s25  }
0xa8: {  	s30 =	spop (v2sf);
	s29 =	sadd.s32 s25, s1  }
0xa9: {  	s31 =	spop (v2sf);
	s30 =	sadd.s32 s29, s30  }
0xaa: {  	s4 =	spop (v2sf);
	s31 =	sadd.s32 s30, s31  }
0xab: {  	s4 =	sadd.s32 s31, s4;
	s0 =	spop (v2sf)  }
0xac: {  	s0 =	sadd.s32 s4, s0;
	s2 =	spop (v2sf)  }
0xad: {  	[tilespmem:s26+$0x9800] =	vst.msk vm2, v9;
	s26 =	sadd.s32 s0, s2;
	s1 =	spop (v2sf)  }
0xae: {  	[tilespmem:s25+$0x9800] =	vst.msk vm3, v8;
	s25 =	sadd.s32 s26, s1;
	s2 =	spop (v2sf)  }
0xaf: {  	[tilespmem:s28+$0x9800] =	vst.msk vm1, v10;
	s28 =	sadd.s32 s25, s2;
	s1 =	spop (v2sf)  }
0xb0: {  	[tilespmem:s29+$0x9800] =	vst.msk vm4, v7;
	s29 =	sadd.s32 s28, s1;
	s2 =	spop (v2sf)  }
0xb1: {  	[tilespmem:s30+$0x9800] =	vst.msk vm5, v6;
	s30 =	sadd.s32 s29, s2;
	s1 =	spop (v2sf)  }
0xb2: {  	[tilespmem:s4+$0x9800] =	vst.msk vm8, v16;
	s4 =	sadd.s32 s30, s1;
	s2 =	spop (v2sf)  }
0xb3: {  	s1 =	sadd.s32 s4, s2  }
0xb4: {  	s2 =	sadd.s32 $0xF, s1  }
0xb5: {  	[tilespmem:s25+$0x9800] =	vst.msk vm13, v18;
	s25 =	sand.u32 $0xF, s2  }
0xb6: {  	[tilespmem:s31+$0x9800] =	vst.msk vm6, v5;
	s31 =	sshra.s32 s2, $0x1F;
	p2 =	slt.s32 s2, $0x1;
	p1 =	sne.s32 s25, $0x0  }
0xb7: {  	[tilespmem:s0+$0x9800] =	vst.msk vm7, v11;
	s0 =	sshrl.u32 s31, $0x1C;
	p1 =	por !p2, !p1  }
0xb8: {  	[tilespmem:s26+$0x9800] =	vst.msk vm9, v19;
	s26 =	simm.s32 $0x1;
	s0 =	sadd.s32 s0, s2;
	p1 =	por !p1, !p1  }
0xb9: {  	v5 =	vadd.s32 s1, v3;
	s0 =	sshra.s32 s0, $0x4;
	s26 =	simm.s32 @!p1 $0x0  }
0xba: {  	[tilespmem:s28+$0x9800] =	vst.msk vm14, v17;
	s26 =	ssub.s32 s0, s26  }
0xbb: {  	[tilespmem:s29+$0x9800] =	vst.msk vm11, v14;
	p1 =	slt.s32 s26, $0x1  }
.Ltmp3:
0xbc: {  	[tilespmem:s30+$0x9800] =	vst.msk vm12, v13;
	(pc) =	sbr.rel @p1 .LBB2_11-.Ltmp3, $4  }
0xbd: {  	[tilespmem:s4+$0x9800] =	vst.msk vm10, v12;
	s25 =	simm.s32 $0x9800  }
0xbe: {  	[tilespmem:v5+s25+$0x0] =	vst.idx.msk $0xffff, v2  }
0xbf: {  	_ =	strace $0x90000049  }
0xc0: {  	_ =	strace $0x8000004A  }
0xc1: {  	p1 =	sne.s32 s26, $0x1  }
.Ltmp4:
0xc2: {  	_ = 	snop;
	(pc) =	sbr.rel @!p1 .LBB2_10-.Ltmp4, $2  }
0xc3: {  	_ =	sdelay $0x2  }
0xc4: {  	v5 =	vld [tilespmem:s25+$0x0];
	s26 =	sadd.s32 $0xFFFFFFFF, s26  }
.LBB2_9:
0xc5: {  	p1 =	sne.s32 s26, $0x1;
	_ =	sdelay $0x3  }
0xc6: {  	(xrf1) =	vsort.ascd.msk.u32 $0xffff, v5, v5;
	_ =	sdelay $0xd  }
0xc7: {  	v5, _, _ =	vpop (xrf1)  }
0xc8: {  	v6 =	vshra.s32 v5, $0xF  }
0xc9: {  	(xrf1) =	vsort.ascd.msk.u32 $0xffff, v4, v6;
	_ =	sdelay $0xd  }
0xca: {  	_, v7, _ =	vpop (xrf1)  }
0xcb: {  	v8 =	vshra.s32 v5, $0x1A;
	vm1 =	vne.s32 v6, v7  }
0xcc: {  	vm2 =	veq.s32 v8, v0;
	vm1 =	vmor vm1, vm0  }
0xcd: {  	v6 =	vsub.s32 v6, v1;
	vm1 =	vmand vm2, vm1  }
0xce: {  	v6 =	vnsel vm1, $0x0, v6;
	_ =	sdelay $0x1  }
.Ltmp5:
0xcf: {  	(pc) =	sbr.rel @p1 .LBB2_9-.Ltmp5, $4  }
0xd0: {  	_ = 	snop  }
0xd1: {  	v5 =	vand.u32 $0x7FFF, v5  }
0xd2: {  	s25 =	sadd.s32 $0x10, s25;
	[tilespmem:v6+s19+$0x0] =	vst.idx.msk vm1, v5  }
0xd3: {  	s26 =	sadd.s32 $0xFFFFFFFF, s26;
	v5 =	vld [tilespmem:s25+$0x0]  }
.LBB2_10:
0xd4: {  	_ =	sdelay $0x3  }
0xd5: {  	(xrf1) =	vsort.ascd.msk.u32 $0xffff, v5, v5;
	_ =	sdelay $0xd  }
0xd6: {  	v5, _, _ =	vpop (xrf1)  }
0xd7: {  	v6 =	vshra.s32 v5, $0xF  }
0xd8: {  	(xrf1) =	vsort.ascd.msk.u32 $0xffff, v4, v6;
	_ =	sdelay $0xd  }
0xd9: {  	_, v7, _ =	vpop (xrf1)  }
0xda: {  	v8 =	vshra.s32 v5, $0x1A;
	vm1 =	vne.s32 v6, v7  }
0xdb: {  	vm2 =	veq.s32 v8, v0;
	vm1 =	vmor vm1, vm0  }
0xdc: {  	v6 =	vsub.s32 v6, v1;
	vm1 =	vmand vm2, vm1  }
0xdd: {  	v6 =	vnsel vm1, $0x0, v6;
	_ =	sdelay $0x3  }
0xde: {  	v5 =	vand.u32 $0x7FFF, v5  }
0xdf: {  	[tilespmem:v6+s19+$0x0] =	vst.idx.msk vm1, v5  }
.LBB2_11:
0xe0: {  	_ =	strace $0x9000004A  }
0xe1: {  	s0 =	simm.s32 $0x9040;
	_ =	strace $0x8000004B  }
0xe2: {  	v9 =	vld [tilespmem:s0+$0x30]  }
0xe3: {  	v10 =	vld [tilespmem:s0+$0xFFFFFFD0]  }
0xe4: {  	v6 =	vld [tilespmem:s0+$0xFFFFFFE0]  }
0xe5: {  	v5 =	vld [tilespmem:s0+$0xFFFFFFF0]  }
0xe6: {  	v7 =	vld [tilespmem:s0+$0x0]  }
0xe7: {  	s4 =	sadd.s32 $0xFFFFFF90, s12;
	v11 =	vor.u32 s12, v3;
	v8 =	vld [tilespmem:s0+$0x10]  }
0xe8: {  	s25 =	sadd.s32 $0xFFFFFFA0, s12;
	s26 =	sadd.s32 $0xFFFFFFB0, s12;
	v15 =	vor.u32 s4, v3;
	v11 =	vand.u32 $0x7FFF, v11;
	vm1 =	vlt.s32 v9, $0x0  }
0xe9: {  	s2 =	sadd.s32 $0xFFFFFFC0, s12;
	s28 =	sadd.s32 $0xFFFFFFD0, s12;
	v17 =	vor.u32 s25, v3;
	v19 =	vor.u32 s26, v3;
	v18 =	vsel vm1, v11, v9;
	v9 =	vld [tilespmem:s0+$0x20]  }
0xea: {  	s26 =	sadd.s32 $0xFFFFFFE0, s12;
	v14 =	vor.u32 s2, v3;
	v13 =	vor.u32 s28, v3;
	v16 =	vand.u32 $0x7F8F, v15;
	v15 =	vld [tilespmem:s0+$0xFFFFFFC0]  }
0xeb: {  	v12 =	vor.u32 s26, v3;
	vm2 =	vlt.s32 v6, $0x0;
	vm4 =	vlt.s32 v5, $0x0  }
0xec: {  	s31 =	sadd.s32 $0xFFFFFFF0, s12;
	s29 =	simm.s32 $0x90C0;
	s25 =	simm.s32 $0x118C0;
	vm3 =	vlt.s32 v7, $0x0;
	vm5 =	vlt.s32 v8, $0x0;
	vm1 =	vlt.s32 v10, $0x0  }
0xed: {  	s30 =	smov.u32 s12;
	s28 =	simm.s32 $0x0;
	s26 =	simm.s32 $0x118C0;
	v11 =	vor.u32 s31, v3;
	[tilespmem:s25+$0x30] =	vst v18;
	v18 =	vand.u32 $0x7FFF, v17;
	v17 =	vand.u32 $0x7FFF, v19  }
.LBB2_12:
0xee: {  	v19 =	vld [tilespmem:s29+$0x30];
	s28 =	sadd.s32 $0x8, s28;
	v14 =	vand.u32 $0x7FFF, v14;
	v13 =	vand.u32 $0x7FFF, v13;
	vm6 =	vlt.s32 v9, $0x0  }
0xef: {  	v12 =	vand.u32 $0x7FFF, v12;
	v11 =	vand.u32 $0x7FFF, v11;
	v20 =	vld [tilespmem:s29+$0xFFFFFFD0];
	p1 =	slt.u32 s28, $0x78;
	vm7 =	vlt.s32 v15, $0x0  }
0xf0: {  	v10 =	vsel vm1, v18, v10;
	v15 =	vsel vm7, v16, v15;
	v16 =	vsel vm2, v17, v6;
	v6 =	vld [tilespmem:s29+$0xFFFFFFE0]  }
0xf1: {  	s30 =	sadd.s32 $0x80, s30;
	v14 =	vsel vm4, v14, v5;
	v18 =	vsel vm5, v12, v8;
	v17 =	vsel vm3, v13, v7;
	[tilespmem:s25+$0xFFFFFFC0] =	vst v15;
	v5 =	vld [tilespmem:s29+$0xFFFFFFF0]  }
0xf2: {  	s0 =	sadd.s32 $0xFFFFFF90, s30;
	s4 =	sadd.s32 $0xFFFFFFA0, s30;
	s31 =	sadd.s32 $0xFFFFFFB0, s30;
	v12 =	vor.u32 s30, v3;
	v21 =	vsel vm6, v11, v9;
	v7 =	vld [tilespmem:s29+$0x0];
	[tilespmem:s25+$0xFFFFFFD0] =	vst v10  }
0xf3: {  	s1 =	sadd.s32 $0xFFFFFFD0, s30;
	s2 =	sadd.s32 $0xFFFFFFE0, s30;
	v22 =	vor.u32 s0, v3;
	s0 =	sadd.s32 $0xFFFFFFC0, s30;
	v12 =	vand.u32 $0x7FFF, v12;
	v8 =	vld [tilespmem:s29+$0x10];
	vm1 =	vlt.s32 v19, $0x0;
	[tilespmem:s25+$0xFFFFFFE0] =	vst v16  }
.Ltmp6:
0xf4: {  	v23 =	vor.u32 s4, v3;
	v24 =	vor.u32 s31, v3;
	s4 =	sadd.s32 $0xFFFFFFF0, s30;
	s25 =	sadd.s32 $0x80, s25;
	v9 =	vld [tilespmem:s29+$0x20];
	v11 =	vsel vm1, v12, v19;
	[tilespmem:s26+$0xFFFFFFF0] =	vst v14;
	v10 =	vmovc v20;
	(pc) =	sbr.rel @p1 .LBB2_12-.Ltmp6, $4  }
0xf5: {  	v13 =	vor.u32 s1, v3;
	v14 =	vor.u32 s0, v3;
	v15 =	vld [tilespmem:s29+$0xFFFFFFC0];
	vm1 =	vlt.s32 v10, $0x0;
	[tilespmem:s25+$0x30] =	vst v11  }
0xf6: {  	v12 =	vor.u32 s2, v3;
	vm2 =	vlt.s32 v6, $0x0;
	v11 =	vor.u32 s4, v3;
	[tilespmem:s26+$0x0] =	vst v17  }
0xf7: {  	v16 =	vand.u32 $0x7F8F, v22;
	vm4 =	vlt.s32 v5, $0x0;
	vm3 =	vlt.s32 v7, $0x0;
	[tilespmem:s26+$0x10] =	vst v18  }
0xf8: {  	s29 =	sadd.s32 $0x80, s29;
	v17 =	vand.u32 $0x7FFF, v24;
	v18 =	vand.u32 $0x7FFF, v23;
	vm5 =	vlt.s32 v8, $0x0;
	[tilespmem:s26+$0x20] =	vst v21;
	s26 =	smov.u32 s25  }
0xf9: {  	v10 =	vsel vm1, v18, v10  }
0xfa: {  	v14 =	vand.u32 $0x7FFF, v14;
	v6 =	vsel vm2, v17, v6;
	[tilespmem:s25+$0xFFFFFFD0] =	vst v10  }
0xfb: {  	vm6 =	vlt.s32 v15, $0x0;
	v5 =	vsel vm4, v14, v5;
	[tilespmem:s25+$0xFFFFFFE0] =	vst v6  }
0xfc: {  	v10 =	vand.u32 $0x7FFF, v13;
	v15 =	vsel vm6, v16, v15;
	[tilespmem:s26+$0xFFFFFFF0] =	vst v5  }
0xfd: {  	v6 =	vand.u32 $0x7FFF, v12;
	v7 =	vsel vm3, v10, v7;
	[tilespmem:s25+$0xFFFFFFC0] =	vst v15  }
0xfe: {  	vm1 =	vlt.s32 v9, $0x0;
	v5 =	vand.u32 $0x7FFF, v11;
	v6 =	vsel vm5, v6, v8;
	[tilespmem:s26+$0x0] =	vst v7  }
0xff: {  	v5 =	vsel vm1, v5, v9;
	[tilespmem:s26+$0x10] =	vst v6  }
0x100: {  	[tilespmem:s26+$0x20] =	vst v5  }
0x101: {  	_ =	strace $0x9000004B  }
0x102: {  	s0 =	simm.s32 @!p0 $0x2;
	_ =	strace $0x8000004C  }
0x103: {  	_ =	swait.ge @!p0 [sflag:s0], $0x1000  }
0x104: {  	[sflag:s0] =	ssyncset.done @!p0 $0x0  }
0x105: {  	[sflag:s0] =	ssyncadd.s32 @!p0 $0xFFFFF000  }
0x106: {  	_ =	swait.ge @!p0 [sflag:s0], $0x2000  }
0x107: {  	[sflag:s0] =	ssyncset.done @!p0 $0x0  }
0x108: {  	[sflag:s0] =	ssyncadd.s32 @!p0 $0xFFFFE000  }
0x109: {  	[bflag:$0x0] =	sbarrier.arrive $0xFFFF  }
0x10a: {  	[tilespmem:s21], [sflag:$0x1] =	stream.indirect.gather [spmem:s3], $0x1, s20, s15, $0x2000b8;
	[tilespmem:$0x15880] =	vst v63  }
0x10b: {  	_ =	swait.ge [sflag:s16], $0x800  }
0x10c: {  	[sflag:s16] =	ssyncset.done $0x0  }
0x10d: {  	[sflag:s16] =	ssyncadd.s32 $0xFFFFF800  }
0x10e: {  	[tilespmem:s22], [sflag:$0x1] =	stream.indirect.gather [spmem:s5], $0x1, s21, s15, $0x2000b8;
	[tilespmem:$0x15880] =	vst v63  }
0x10f: {  	_ =	swait.ge [sflag:s16], $0x800  }
0x110: {  	[sflag:s16] =	ssyncset.done $0x0  }
0x111: {  	[sflag:s16] =	ssyncadd.s32 $0xFFFFF800  }
0x112: {  	_ =	strace $0x9000004C  }
0x113: {  	s31 =	simm.s32 $0x9040;
	_ =	strace $0x8000004D  }
0x114: {  	s25 =	simm.s32 $0x128C0;
	v5 =	vld [tilespmem:s31+$0x30]  }
0x115: {  	v7 =	vld [tilespmem:s25+$0x30]  }
0x116: {  	v8 =	vld [tilespmem:s31+$0xFFFFFFD0]  }
0x117: {  	v9 =	vld [tilespmem:s31+$0xFFFFFFE0]  }
0x118: {  	v10 =	vld [tilespmem:s31+$0xFFFFFFF0]  }
0x119: {  	v11 =	vld [tilespmem:s31+$0x0]  }
0x11a: {  	v58 =	vld [tilespmem:s31+$0x10]  }
0x11b: {  	v59 =	vld [tilespmem:s31+$0x20]  }
0x11c: {  	v60 =	vld [tilespmem:s31+$0xFFFFFFC0]  }
0x11d: {  	v61 =	vld [tilespmem:s25+$0xFFFFFFC0]  }
0x11e: {  	v62 =	vld [tilespmem:s25+$0xFFFFFFD0]  }
0x11f: {  	v6 =	vld [tilespmem:s25+$0xFFFFFFE0]  }
0x120: {  	vm1 =	vgt.s32 v5, $0xFFFFFFFF;
	v5 =	vld [tilespmem:s25+$0xFFFFFFF0];
	vm6 =	vgt.s32 v8, $0xFFFFFFFF  }
0x121: {  	s26 =	simm.s32 $0x130C0;
	vm5 =	vgt.s32 v9, $0xFFFFFFFF;
	v63 =	vnsel vm1, $0x0, v7;
	vm1 =	vgt.s32 v60, $0xFFFFFFFF;
	v7 =	vld [tilespmem:s25+$0x0]  }
0x122: {  	vm4 =	vgt.s32 v10, $0xFFFFFFFF;
	vm2 =	vgt.s32 v11, $0xFFFFFFFF;
	v8 =	vld [tilespmem:s25+$0x10];
	[tilespmem:s26+$0x30] =	vst v63;
	v9 =	vnsel vm1, $0x0, v61  }
0x123: {  	s28 =	simm.s32 $0x0;
	s29 =	simm.s32 $0x90C0;
	vm3 =	vgt.s32 v58, $0xFFFFFFFF;
	v10 =	vnsel vm6, $0x0, v62;
	vm1 =	vgt.s32 v59, $0xFFFFFFFF;
	[tilespmem:s26+$0xFFFFFFC0] =	vst v9;
	v9 =	vld [tilespmem:s25+$0x20]  }
.LBB2_14:
0x124: {  	v11 =	vld [tilespmem:s29+$0x30];
	s28 =	sadd.s32 $0x8, s28;
	[tilespmem:s26+$0xFFFFFFD0] =	vst v10;
	v6 =	vnsel vm5, $0x0, v6;
	s25 =	sadd.s32 $0x80, s25  }
0x125: {  	v10 =	vld [tilespmem:s25+$0x30];
	p1 =	slt.u32 s28, $0x78;
	[tilespmem:s26+$0xFFFFFFE0] =	vst v6;
	v5 =	vnsel vm4, $0x0, v5  }
0x126: {  	v6 =	vld [tilespmem:s29+$0xFFFFFFD0];
	[tilespmem:s26+$0xFFFFFFF0] =	vst v5;
	v5 =	vnsel vm2, $0x0, v7  }
0x127: {  	v7 =	vld [tilespmem:s29+$0xFFFFFFE0];
	[tilespmem:s26+$0x0] =	vst v5;
	v5 =	vnsel vm3, $0x0, v8  }
0x128: {  	v8 =	vld [tilespmem:s29+$0xFFFFFFF0];
	[tilespmem:s26+$0x10] =	vst v5;
	v5 =	vnsel vm1, $0x0, v9  }
0x129: {  	v9 =	vld [tilespmem:s29+$0x0];
	vm1 =	vgt.s32 v11, $0xFFFFFFFF;
	[tilespmem:s26+$0x20] =	vst v5  }
0x12a: {  	s26 =	sadd.s32 $0x80, s26;
	v5 =	vld [tilespmem:s29+$0x10];
	v10 =	vnsel vm1, $0x0, v10  }
0x12b: {  	vm6 =	vgt.s32 v6, $0xFFFFFFFF;
	v11 =	vld [tilespmem:s29+$0x20];
	[tilespmem:s26+$0x30] =	vst v10  }
0x12c: {  	v10 =	vld [tilespmem:s29+$0xFFFFFFC0];
	vm5 =	vgt.s32 v7, $0xFFFFFFFF  }
0x12d: {  	v12 =	vld [tilespmem:s25+$0xFFFFFFC0];
	vm4 =	vgt.s32 v8, $0xFFFFFFFF  }
0x12e: {  	v13 =	vld [tilespmem:s25+$0xFFFFFFD0];
	vm2 =	vgt.s32 v9, $0xFFFFFFFF  }
.Ltmp7:
0x12f: {  	v6 =	vld [tilespmem:s25+$0xFFFFFFE0];
	vm3 =	vgt.s32 v5, $0xFFFFFFFF;
	(pc) =	sbr.rel @p1 .LBB2_14-.Ltmp7, $4  }
0x130: {  	v5 =	vld [tilespmem:s25+$0xFFFFFFF0];
	vm1 =	vgt.s32 v11, $0xFFFFFFFF  }
0x131: {  	vm7 =	vgt.s32 v10, $0xFFFFFFFF;
	v7 =	vld [tilespmem:s25+$0x0]  }
0x132: {  	v9 =	vnsel vm7, $0x0, v12;
	v8 =	vld [tilespmem:s25+$0x10]  }
0x133: {  	s29 =	sadd.s32 $0x80, s29;
	[tilespmem:s26+$0xFFFFFFC0] =	vst v9;
	v10 =	vnsel vm6, $0x0, v13;
	v9 =	vld [tilespmem:s25+$0x20]  }
0x134: {  	[tilespmem:s26+$0xFFFFFFD0] =	vst v10;
	v6 =	vnsel vm5, $0x0, v6  }
0x135: {  	[tilespmem:s26+$0xFFFFFFE0] =	vst v6;
	v5 =	vnsel vm4, $0x0, v5  }
0x136: {  	[tilespmem:s26+$0xFFFFFFF0] =	vst v5;
	v5 =	vnsel vm2, $0x0, v7  }
0x137: {  	[tilespmem:s26+$0x0] =	vst v5;
	v5 =	vnsel vm3, $0x0, v8  }
0x138: {  	s24 =	sadd.s32 $0x1, s24;
	[tilespmem:s26+$0x10] =	vst v5;
	v5 =	vnsel vm1, $0x0, v9  }
0x139: {  	p1 =	sne.s32 s24, s11;
	[tilespmem:s26+$0x20] =	vst v5  }
0x13a: {  	[hbm4b:s10+s6] =	stream.linear.scatter [tilespmem:s23], [sflag:$0x3], $0x800, $0x200038;
	[tilespmem:$0x15880] =	vst v63  }
.Ltmp8:
0x13b: {  	_ = 	snop;
	(pc) =	sbr.rel @p1 .LBB2_1-.Ltmp8, $4  }
0x13c: {  	_ =	swait.ge [sflag:s17], $0x800  }
0x13d: {  	[sflag:s17] =	ssyncset.done $0x0  }
0x13e: {  	[sflag:s17] =	ssyncadd.s32 $0xFFFFF800  }
0x13f: {  	_ =	strace $0x9000004D  }
0x140: {  	_ =	sfence.sel $0x180000  }
0x141: {  	[bflag:$0x0] =	sbarrier.arrive $0xFFFF  }
0x142: {  	_ =	strace $0x90000047  }
0x143: {  	[bflag:$0x2] =	sbarrier.arrive $0xFFFF  }
0x144: {  	s0 =	rddreg [dreg:$0x8]  }
0x145: {  	s0 =	sadd.s32 @!p0 $0x100000, s0  }
0x146: {  	[sflag:s0] =	ssyncadd.tile.s32 @!p0 $0x1;
	_ =	shalt  }
.Lfunc_end2:
_tile_overlayer_lowered:
.L_overlay_start_2:
0x147: {  	(tag) =	ssettag $0x2  }
0x148: {  	s0 =	rddreg [dreg:$0x0];
	s2 =	stileid.u32  }
0x149: {  	s1 =	rddreg [dreg:$0x1];
	p0 =	sne.s32 s2, $0x0  }
0x14a: {  	s3 =	rddreg [dreg:$0x2];
	[bflag:$0x3] =	sbarrier.arrive $0xFFFF;
	s2 =	simm.s32 @!p0 $0x1C03  }
0x14b: {  	[timem:s3], [sflag:s2] =	dma.local @!p0 [hbm:s0], s1  }
0x14c: {  	s0 =	simm.s32 @!p0 $0x3  }
0x14d: {  	_ =	swait.ge @!p0 [sflag:s0], s1  }
0x14e: {  	s1 =	ssub.s32 @!p0 $0x0, s1;
	[sflag:s0] =	ssyncset.done @!p0 $0x0  }
0x14f: {  	[sflag:s0] =	ssyncadd.s32 @!p0 s1  }
0x150: {  	[bflag:$0x3] =	sbarrier.arrive $0xFFFF  }
0x151: {  	_ =	shalt  }

</sc_bundles>
